<compile_context>
chip_gen: v7x
topology: tpu7x:2x2x1
jax: 0.10.2.dev20260603
libtpu: 0.0.44.dev20260713+nightly
codegen_flags: <defaults>
</compile_context>

<pallas_src>
import functools

import jax
import jax.numpy as jnp
from jax import lax
from jax.experimental import pallas as pl
from jax.experimental.pallas import tpu as pltpu
from jax.experimental.pallas import tpu_sc as plsc

B, N, C = 4, 4096, 2048
NW = 32
KB = C // (NW // B)
R = 64
NCHUNK = N // R
NVREG = KB // 16


def _body(x_hbm, o_hbm, in0, in1, out0, out1, s_in0, s_in1, s_out0, s_out1):
  wid = lax.axis_index("s") * 2 + lax.axis_index("c")
  b = wid // (NW // B)
  k = wid % (NW // B)
  row0 = b * N
  c0 = k * KB

  def src(g):
    return x_hbm.at[pl.ds(row0 + g * R, R), pl.ds(c0, KB)]

  def dst(g):
    return o_hbm.at[pl.ds(row0 + g * R, R), pl.ds(c0, KB)]

  pltpu.make_async_copy(src(0), in0, s_in0).start()
  pltpu.make_async_copy(src(1), in1, s_in1).start()

  UNROLL = 2

  def compute_chunk(inb, outb, carry):
    def rows(i, carry):
      r0 = i * UNROLL
      carry = list(carry)
      for u in range(UNROLL):
        for j in range(NVREG):
          c = carry[j] + inb[r0 + u, pl.ds(16 * j, 16)]
          outb[r0 + u, pl.ds(16 * j, 16)] = c
          carry[j] = c
      return tuple(carry)
    return lax.fori_loop(0, R // UNROLL, rows, carry)

  def chunk_pair(h, carry):
    for p, (inb, outb, s_in, s_out) in enumerate(
        ((in0, out0, s_in0, s_out0), (in1, out1, s_in1, s_out1))):
      g = 2 * h + p
      pltpu.make_async_copy(src(g), inb, s_in).wait()

      @pl.when(h > 0)
      def _():
        pltpu.make_async_copy(outb, dst(g), s_out).wait()

      carry = compute_chunk(inb, outb, carry)
      pltpu.make_async_copy(outb, dst(g), s_out).start()

      @pl.when(g + 2 < NCHUNK)
      def _():
        pltpu.make_async_copy(src(g + 2), inb, s_in).start()
    return carry

  zeros = tuple(jnp.zeros((16,), jnp.float32) for _ in range(NVREG))
  lax.fori_loop(0, NCHUNK // 2, chunk_pair, zeros)

  pltpu.make_async_copy(out0, dst(NCHUNK - 2), s_out0).wait()
  pltpu.make_async_copy(out1, dst(NCHUNK - 1), s_out1).wait()


_scan = functools.partial(
    pl.kernel,
    out_type=jax.ShapeDtypeStruct((B * N, C), jnp.float32),
    mesh=plsc.VectorSubcoreMesh(core_axis_name="c", subcore_axis_name="s"),
    scratch_types=[
        pltpu.VMEM((R, KB), jnp.float32),
        pltpu.VMEM((R, KB), jnp.float32),
        pltpu.VMEM((R, KB), jnp.float32),
        pltpu.VMEM((R, KB), jnp.float32),
        pltpu.SemaphoreType.DMA,
        pltpu.SemaphoreType.DMA,
        pltpu.SemaphoreType.DMA,
        pltpu.SemaphoreType.DMA,
    ],
)(_body)


@jax.jit
def kernel(x):
  out = _scan(x.reshape(B * N, C))
  return out.reshape(B, N, C)

# --- scband reference (transcript-rebuilt; emitter-appended) ---
"""Pipeline reference for scband-model-new-23656679867162 (READ-ONLY COPY).

The authoritative reference and input builder live on the scoring server;
editing this copy changes nothing except your own understanding.
"""

import jax, jax.numpy as jnp
import numpy as np

DIM = 1  # from init_kwargs

def setup_inputs(seed: int = 0) -> dict:
    key = jax.random.key(seed)
    x = jax.random.normal(key, (4, 4096, 2048), dtype=jnp.float32)
    return {"x": x}

def reference(x):
    # Faithful translation of the module: cast to float32, inclusive
    # cumulative sum along DIM, cast back to original dtype.
    orig_dtype = x.dtype
    out = jnp.cumsum(x.astype(jnp.float32), axis=DIM)
    return out.astype(orig_dtype)

if __name__ == "__main__":
    import jax
    _d = setup_inputs()
    print(jax.jit(kernel)(*tuple(_d.values())))

</pallas_src>

<mosaic_0001>
#map = affine_map<(d0, d1) -> (0, 0)>
module attributes {stable_mosaic.version = 14 : i64} {
  func.func @_body(%arg0: i32, %arg1: i32, %arg2: memref<16384x2048xf32, #tpu.memory_space<hbm>>, %arg3: memref<16384x2048xf32, #tpu.memory_space<hbm>>, %arg4: memref<64x256xf32, #tpu.memory_space<vmem>>, %arg5: memref<64x256xf32, #tpu.memory_space<vmem>>, %arg6: memref<64x256xf32, #tpu.memory_space<vmem>>, %arg7: memref<64x256xf32, #tpu.memory_space<vmem>>, %arg8: memref<!tpu.dma_semaphore, #tpu.memory_space<semaphore_mem>>, %arg9: memref<!tpu.dma_semaphore, #tpu.memory_space<semaphore_mem>>, %arg10: memref<!tpu.dma_semaphore, #tpu.memory_space<semaphore_mem>>, %arg11: memref<!tpu.dma_semaphore, #tpu.memory_space<semaphore_mem>>) attributes {dimension_semantics = [#tpu.dimension_semantics<core_parallel>, #tpu.dimension_semantics<subcore_parallel>], iteration_bounds = array<i64: 2, 16>, scalar_prefetch = 0 : i64, scratch_operands = 8 : i64, tpu.core_type = #tpu.core_type<sc_vector_subcore>, window_params = [{transform_indices = #map}, {transform_indices = #map}]} {
    %mul3A = arith.constant 2 : i32
    %mul3A_0 = arith.muli %arg1, %mul3A : i32
    %add3A = arith.addi %mul3A_0, %arg0 : i32
    %jit3A = arith.constant 8 : i32
    %div3A = arith.divsi %add3A, %jit3A : i32
    %sign3A = arith.constant 0 : i32
    %sign3A_1 = arith.cmpi sgt, %add3A, %sign3A : i32
    %sign3A_2 = arith.extui %sign3A_1 : i1 to i32
    %sign3A_3 = arith.constant 0 : i32
    %sign3A_4 = arith.cmpi slt, %add3A, %sign3A_3 : i32
    %sign3A_5 = arith.extui %sign3A_4 : i1 to i32
    %sign3A_6 = arith.subi %sign3A_2, %sign3A_5 : i32
    %sign3A_7 = arith.constant 0 : i32
    %sign3A_8 = arith.cmpi sgt, %jit3A, %sign3A_7 : i32
    %sign3A_9 = arith.extui %sign3A_8 : i1 to i32
    %sign3A_10 = arith.constant 0 : i32
    %sign3A_11 = arith.cmpi slt, %jit3A, %sign3A_10 : i32
    %sign3A_12 = arith.extui %sign3A_11 : i1 to i32
    %sign3A_13 = arith.subi %sign3A_9, %sign3A_12 : i32
    %ne3A = arith.cmpi ne, %sign3A_6, %sign3A_13 : i32
    %rem3A = arith.remsi %add3A, %jit3A : i32
    %ne3A_14 = arith.constant 0 : i32
    %ne3A_15 = arith.cmpi ne, %rem3A, %ne3A_14 : i32
    %and3A = arith.andi %ne3A, %ne3A_15 : i1
    %sub3A = arith.constant 1 : i32
    %sub3A_16 = arith.subi %div3A, %sub3A : i32
    %select_n3A = arith.select %and3A, %sub3A_16, %div3A : i32
    %jit3A_17 = arith.constant 8 : i32
    %eq3A = arith.constant 0 : i32
    %eq3A_18 = arith.cmpi eq, %jit3A_17, %eq3A : i32
    %jit3A_19 = arith.constant 1 : i32
    %select_n3A_20 = arith.select %eq3A_18, %jit3A_19, %jit3A_17 : i32
    %rem3A_21 = arith.remsi %add3A, %select_n3A_20 : i32
    %ne3A_22 = arith.constant 0 : i32
    %ne3A_23 = arith.cmpi ne, %rem3A_21, %ne3A_22 : i32
    %lt3A = arith.constant 0 : i32
    %lt3A_24 = arith.cmpi slt, %rem3A_21, %lt3A : i32
    %lt3A_25 = arith.constant 0 : i32
    %lt3A_26 = arith.cmpi slt, %select_n3A_20, %lt3A_25 : i32
    %ne3A_27 = arith.xori %lt3A_24, %lt3A_26 : i1
    %and3A_28 = arith.andi %ne3A_27, %ne3A_23 : i1
    %add3A_29 = arith.addi %rem3A_21, %select_n3A_20 : i32
    %select_n3A_30 = arith.select %and3A_28, %add3A_29, %rem3A_21 : i32
    %mul3A_31 = arith.constant 4096 : i32
    %mul3A_32 = arith.muli %select_n3A, %mul3A_31 : i32
    %mul3A_33 = arith.constant 256 : i32
    %mul3A_34 = arith.muli %select_n3A_30, %mul3A_33 : i32
    %add3A_35 = arith.constant 0 : i32
    %add3A_36 = arith.addi %mul3A_32, %add3A_35 : i32
    %dma_start3A = tpu.memref_slice %arg2[%add3A_36, %mul3A_34] : memref<16384x2048xf32, #tpu.memory_space<hbm>> -> memref<64x256xf32, #tpu.memory_space<hbm>>
    %dma_start3A_37 = tpu.memref_slice %arg2[%add3A_36, %mul3A_34] : memref<16384x2048xf32, #tpu.memory_space<hbm>> -> memref<64x256xf32, #tpu.memory_space<hbm>>
    tpu.enqueue_dma source(%dma_start3A_37 : memref<64x256xf32, #tpu.memory_space<hbm>>) target(%arg4 : memref<64x256xf32, #tpu.memory_space<vmem>>) target_semaphore(%arg8 : memref<!tpu.dma_semaphore, #tpu.memory_space<semaphore_mem>>)
    %add3A_38 = arith.constant 64 : i32
    %add3A_39 = arith.addi %mul3A_32, %add3A_38 : i32
    %dma_start3A_40 = tpu.memref_slice %arg2[%add3A_39, %mul3A_34] : memref<16384x2048xf32, #tpu.memory_space<hbm>> -> memref<64x256xf32, #tpu.memory_space<hbm>>
    %dma_start3A_41 = tpu.memref_slice %arg2[%add3A_39, %mul3A_34] : memref<16384x2048xf32, #tpu.memory_space<hbm>> -> memref<64x256xf32, #tpu.memory_space<hbm>>
    tpu.enqueue_dma source(%dma_start3A_41 : memref<64x256xf32, #tpu.memory_space<hbm>>) target(%arg5 : memref<64x256xf32, #tpu.memory_space<vmem>>) target_semaphore(%arg9 : memref<!tpu.dma_semaphore, #tpu.memory_space<semaphore_mem>>)
    %broadcast_in_dim3A = arith.constant 0.000000e+00 : f32
    %broadcast_in_dim3A_42 = vector.broadcast %broadcast_in_dim3A : f32 to vector<16xf32>
    %broadcast_in_dim3A_43 = arith.constant 0.000000e+00 : f32
    %broadcast_in_dim3A_44 = vector.broadcast %broadcast_in_dim3A_43 : f32 to vector<16xf32>
    %broadcast_in_dim3A_45 = arith.constant 0.000000e+00 : f32
    %broadcast_in_dim3A_46 = vector.broadcast %broadcast_in_dim3A_45 : f32 to vector<16xf32>
    %broadcast_in_dim3A_47 = arith.constant 0.000000e+00 : f32
    %broadcast_in_dim3A_48 = vector.broadcast %broadcast_in_dim3A_47 : f32 to vector<16xf32>
    %broadcast_in_dim3A_49 = arith.constant 0.000000e+00 : f32
    %broadcast_in_dim3A_50 = vector.broadcast %broadcast_in_dim3A_49 : f32 to vector<16xf32>
    %broadcast_in_dim3A_51 = arith.constant 0.000000e+00 : f32
    %broadcast_in_dim3A_52 = vector.broadcast %broadcast_in_dim3A_51 : f32 to vector<16xf32>
    %broadcast_in_dim3A_53 = arith.constant 0.000000e+00 : f32
    %broadcast_in_dim3A_54 = vector.broadcast %broadcast_in_dim3A_53 : f32 to vector<16xf32>
    %broadcast_in_dim3A_55 = arith.constant 0.000000e+00 : f32
    %broadcast_in_dim3A_56 = vector.broadcast %broadcast_in_dim3A_55 : f32 to vector<16xf32>
    %broadcast_in_dim3A_57 = arith.constant 0.000000e+00 : f32
    %broadcast_in_dim3A_58 = vector.broadcast %broadcast_in_dim3A_57 : f32 to vector<16xf32>
    %broadcast_in_dim3A_59 = arith.constant 0.000000e+00 : f32
    %broadcast_in_dim3A_60 = vector.broadcast %broadcast_in_dim3A_59 : f32 to vector<16xf32>
    %broadcast_in_dim3A_61 = arith.constant 0.000000e+00 : f32
    %broadcast_in_dim3A_62 = vector.broadcast %broadcast_in_dim3A_61 : f32 to vector<16xf32>
    %broadcast_in_dim3A_63 = arith.constant 0.000000e+00 : f32
    %broadcast_in_dim3A_64 = vector.broadcast %broadcast_in_dim3A_63 : f32 to vector<16xf32>
    %broadcast_in_dim3A_65 = arith.constant 0.000000e+00 : f32
    %broadcast_in_dim3A_66 = vector.broadcast %broadcast_in_dim3A_65 : f32 to vector<16xf32>
    %broadcast_in_dim3A_67 = arith.constant 0.000000e+00 : f32
    %broadcast_in_dim3A_68 = vector.broadcast %broadcast_in_dim3A_67 : f32 to vector<16xf32>
    %broadcast_in_dim3A_69 = arith.constant 0.000000e+00 : f32
    %broadcast_in_dim3A_70 = vector.broadcast %broadcast_in_dim3A_69 : f32 to vector<16xf32>
    %broadcast_in_dim3A_71 = arith.constant 0.000000e+00 : f32
    %broadcast_in_dim3A_72 = vector.broadcast %broadcast_in_dim3A_71 : f32 to vector<16xf32>
    %scan3A = arith.constant 0 : i32
    %scan3A_73 = arith.constant 32 : i32
    %scan3A_74 = arith.addi %scan3A, %scan3A_73 : i32
    %scan3A_75 = arith.constant 1 : i32
    %scan3A_76:16 = scf.for %scan3A_85 = %scan3A to %scan3A_74 step %scan3A_75 iter_args(%scan3A_86 = %broadcast_in_dim3A_42, %scan3A_87 = %broadcast_in_dim3A_44, %scan3A_88 = %broadcast_in_dim3A_46, %scan3A_89 = %broadcast_in_dim3A_48, %scan3A_90 = %broadcast_in_dim3A_50, %scan3A_91 = %broadcast_in_dim3A_52, %scan3A_92 = %broadcast_in_dim3A_54, %scan3A_93 = %broadcast_in_dim3A_56, %scan3A_94 = %broadcast_in_dim3A_58, %scan3A_95 = %broadcast_in_dim3A_60, %scan3A_96 = %broadcast_in_dim3A_62, %scan3A_97 = %broadcast_in_dim3A_64, %scan3A_98 = %broadcast_in_dim3A_66, %scan3A_99 = %broadcast_in_dim3A_68, %scan3A_100 = %broadcast_in_dim3A_70, %scan3A_101 = %broadcast_in_dim3A_72) -> (vector<16xf32>, vector<16xf32>, vector<16xf32>, vector<16xf32>, vector<16xf32>, vector<16xf32>, vector<16xf32>, vector<16xf32>, vector<16xf32>, vector<16xf32>, vector<16xf32>, vector<16xf32>, vector<16xf32>, vector<16xf32>, vector<16xf32>, vector<16xf32>)  : i32 {
      %mul3A_102 = arith.constant 2 : i32
      %mul3A_103 = arith.muli %mul3A_102, %scan3A_85 : i32
      %add3A_104 = arith.constant 0 : i32
      %add3A_105 = arith.addi %mul3A_103, %add3A_104 : i32
      %mul3A_106 = arith.constant 64 : i32
      %mul3A_107 = arith.muli %add3A_105, %mul3A_106 : i32
      %add3A_108 = arith.addi %mul3A_32, %mul3A_107 : i32
      %dma_wait3A_109 = tpu.memref_slice %arg2[%add3A_108, %mul3A_34] : memref<16384x2048xf32, #tpu.memory_space<hbm>> -> memref<64x256xf32, #tpu.memory_space<hbm>>
      %dma_wait3A_110 = tpu.memref_slice %arg2[%add3A_108, %mul3A_34] : memref<16384x2048xf32, #tpu.memory_space<hbm>> -> memref<64x256xf32, #tpu.memory_space<hbm>>
      tpu.wait_dma2 semaphore(%arg8 : memref<!tpu.dma_semaphore, #tpu.memory_space<semaphore_mem>>) src(%dma_wait3A_110 : memref<64x256xf32, #tpu.memory_space<hbm>>) dst(%arg4 : memref<64x256xf32, #tpu.memory_space<vmem>>)
      %gt3A = arith.constant 0 : i32
      %gt3A_111 = arith.cmpi sgt, %scan3A_85, %gt3A : i32
      %convert_element_type3A = arith.extui %gt3A_111 : i1 to i32
      %cond3A = arith.constant 0 : i32
      %cond3A_112 = arith.cmpi ne, %convert_element_type3A, %cond3A : i32
      scf.if %cond3A_112 {
        %mul3A_163 = arith.constant 64 : i32
        %mul3A_164 = arith.muli %add3A_105, %mul3A_163 : i32
        %add3A_165 = arith.addi %mul3A_32, %mul3A_164 : i32
        %dma_wait3A_166 = tpu.memref_slice %arg3[%add3A_165, %mul3A_34] : memref<16384x2048xf32, #tpu.memory_space<hbm>> -> memref<64x256xf32, #tpu.memory_space<hbm>>
        %dma_wait3A_167 = tpu.memref_slice %arg3[%add3A_165, %mul3A_34] : memref<16384x2048xf32, #tpu.memory_space<hbm>> -> memref<64x256xf32, #tpu.memory_space<hbm>>
        tpu.wait_dma2 semaphore(%arg10 : memref<!tpu.dma_semaphore, #tpu.memory_space<semaphore_mem>>) src(%arg6 : memref<64x256xf32, #tpu.memory_space<vmem>>) dst(%dma_wait3A_167 : memref<64x256xf32, #tpu.memory_space<hbm>>)
      } else {
      }
      %scan3A_113 = arith.constant 0 : i32
      %scan3A_114 = arith.constant 32 : i32
      %scan3A_115 = arith.addi %scan3A_113, %scan3A_114 : i32
      %scan3A_116 = arith.constant 1 : i32
      %scan3A_117:16 = scf.for %scan3A_163 = %scan3A_113 to %scan3A_115 step %scan3A_116 iter_args(%scan3A_164 = %scan3A_86, %scan3A_165 = %scan3A_87, %scan3A_166 = %scan3A_88, %scan3A_167 = %scan3A_89, %scan3A_168 = %scan3A_90, %scan3A_169 = %scan3A_91, %scan3A_170 = %scan3A_92, %scan3A_171 = %scan3A_93, %scan3A_172 = %scan3A_94, %scan3A_173 = %scan3A_95, %scan3A_174 = %scan3A_96, %scan3A_175 = %scan3A_97, %scan3A_176 = %scan3A_98, %scan3A_177 = %scan3A_99, %scan3A_178 = %scan3A_100, %scan3A_179 = %scan3A_101) -> (vector<16xf32>, vector<16xf32>, vector<16xf32>, vector<16xf32>, vector<16xf32>, vector<16xf32>, vector<16xf32>, vector<16xf32>, vector<16xf32>, vector<16xf32>, vector<16xf32>, vector<16xf32>, vector<16xf32>, vector<16xf32>, vector<16xf32>, vector<16xf32>)  : i32 {
        %mul3A_180 = arith.constant 2 : i32
        %mul3A_181 = arith.muli %scan3A_163, %mul3A_180 : i32
        %add3A_182 = arith.constant 0 : i32
        %add3A_183 = arith.addi %mul3A_181, %add3A_182 : i32
        %get3A = arith.index_cast %add3A_183 : i32 to index
        %get3A_184 = arith.constant 0 : index
        %get3A_185 = tpu.vector_load %arg4[%get3A, %get3A_184] {strides = array<i32>} : memref<64x256xf32, #tpu.memory_space<vmem>>, vector<1x16xf32>,
        %get3A_186 = vector.shape_cast %get3A_185 : vector<1x16xf32> to vector<16xf32>
        %add3A_187 = arith.addf %scan3A_164, %get3A_186 : vector<16xf32>
        %add3A_188 = arith.constant 0 : i32
        %add3A_189 = arith.addi %mul3A_181, %add3A_188 : i32
        %swap3A = arith.index_cast %add3A_189 : i32 to index
        %swap3A_190 = arith.constant 0 : index
        %swap3A_191 = tpu.vector_load %arg6[%swap3A, %swap3A_190] {strides = array<i32>} : memref<64x256xf32, #tpu.memory_space<vmem>>, vector<1x16xf32>,
        %swap3A_192 = vector.shape_cast %swap3A_191 : vector<1x16xf32> to vector<16xf32>
        %swap3A_193 = vector.shape_cast %add3A_187 : vector<16xf32> to vector<1x16xf32>
        tpu.vector_store %arg6[%swap3A, %swap3A_190], %swap3A_193 {strides = array<i32>} : memref<64x256xf32, #tpu.memory_space<vmem>>, vector<1x16xf32>,
        %add3A_194 = arith.constant 0 : i32
        %add3A_195 = arith.addi %mul3A_181, %add3A_194 : i32
        %get3A_196 = arith.index_cast %add3A_195 : i32 to index
        %get3A_197 = arith.constant 16 : index
        %get3A_198 = tpu.vector_load %arg4[%get3A_196, %get3A_197] {strides = array<i32>} : memref<64x256xf32, #tpu.memory_space<vmem>>, vector<1x16xf32>,
        %get3A_199 = vector.shape_cast %get3A_198 : vector<1x16xf32> to vector<16xf32>
        %add3A_200 = arith.addf %scan3A_165, %get3A_199 : vector<16xf32>
        %add3A_201 = arith.constant 0 : i32
        %add3A_202 = arith.addi %mul3A_181, %add3A_201 : i32
        %swap3A_203 = arith.index_cast %add3A_202 : i32 to index
        %swap3A_204 = arith.constant 16 : index
        %swap3A_205 = tpu.vector_load %arg6[%swap3A_203, %swap3A_204] {strides = array<i32>} : memref<64x256xf32, #tpu.memory_space<vmem>>, vector<1x16xf32>,
        %swap3A_206 = vector.shape_cast %swap3A_205 : vector<1x16xf32> to vector<16xf32>
        %swap3A_207 = vector.shape_cast %add3A_200 : vector<16xf32> to vector<1x16xf32>
        tpu.vector_store %arg6[%swap3A_203, %swap3A_204], %swap3A_207 {strides = array<i32>} : memref<64x256xf32, #tpu.memory_space<vmem>>, vector<1x16xf32>,
        %add3A_208 = arith.constant 0 : i32
        %add3A_209 = arith.addi %mul3A_181, %add3A_208 : i32
        %get3A_210 = arith.index_cast %add3A_209 : i32 to index
        %get3A_211 = arith.constant 32 : index
        %get3A_212 = tpu.vector_load %arg4[%get3A_210, %get3A_211] {strides = array<i32>} : memref<64x256xf32, #tpu.memory_space<vmem>>, vector<1x16xf32>,
        %get3A_213 = vector.shape_cast %get3A_212 : vector<1x16xf32> to vector<16xf32>
        %add3A_214 = arith.addf %scan3A_166, %get3A_213 : vector<16xf32>
        %add3A_215 = arith.constant 0 : i32
        %add3A_216 = arith.addi %mul3A_181, %add3A_215 : i32
        %swap3A_217 = arith.index_cast %add3A_216 : i32 to index
        %swap3A_218 = arith.constant 32 : index
        %swap3A_219 = tpu.vector_load %arg6[%swap3A_217, %swap3A_218] {strides = array<i32>} : memref<64x256xf32, #tpu.memory_space<vmem>>, vector<1x16xf32>,
        %swap3A_220 = vector.shape_cast %swap3A_219 : vector<1x16xf32> to vector<16xf32>
        %swap3A_221 = vector.shape_cast %add3A_214 : vector<16xf32> to vector<1x16xf32>
        tpu.vector_store %arg6[%swap3A_217, %swap3A_218], %swap3A_221 {strides = array<i32>} : memref<64x256xf32, #tpu.memory_space<vmem>>, vector<1x16xf32>,
        %add3A_222 = arith.constant 0 : i32
        %add3A_223 = arith.addi %mul3A_181, %add3A_222 : i32
        %get3A_224 = arith.index_cast %add3A_223 : i32 to index
        %get3A_225 = arith.constant 48 : index
        %get3A_226 = tpu.vector_load %arg4[%get3A_224, %get3A_225] {strides = array<i32>} : memref<64x256xf32, #tpu.memory_space<vmem>>, vector<1x16xf32>,
        %get3A_227 = vector.shape_cast %get3A_226 : vector<1x16xf32> to vector<16xf32>
        %add3A_228 = arith.addf %scan3A_167, %get3A_227 : vector<16xf32>
        %add3A_229 = arith.constant 0 : i32
        %add3A_230 = arith.addi %mul3A_181, %add3A_229 : i32
        %swap3A_231 = arith.index_cast %add3A_230 : i32 to index
        %swap3A_232 = arith.constant 48 : index
        %swap3A_233 = tpu.vector_load %arg6[%swap3A_231, %swap3A_232] {strides = array<i32>} : memref<64x256xf32, #tpu.memory_space<vmem>>, vector<1x16xf32>,
        %swap3A_234 = vector.shape_cast %swap3A_233 : vector<1x16xf32> to vector<16xf32>
        %swap3A_235 = vector.shape_cast %add3A_228 : vector<16xf32> to vector<1x16xf32>
        tpu.vector_store %arg6[%swap3A_231, %swap3A_232], %swap3A_235 {strides = array<i32>} : memref<64x256xf32, #tpu.memory_space<vmem>>, vector<1x16xf32>,
        %add3A_236 = arith.constant 0 : i32
        %add3A_237 = arith.addi %mul3A_181, %add3A_236 : i32
        %get3A_238 = arith.index_cast %add3A_237 : i32 to index
        %get3A_239 = arith.constant 64 : index
        %get3A_240 = tpu.vector_load %arg4[%get3A_238, %get3A_239] {strides = array<i32>} : memref<64x256xf32, #tpu.memory_space<vmem>>, vector<1x16xf32>,
        %get3A_241 = vector.shape_cast %get3A_240 : vector<1x16xf32> to vector<16xf32>
        %add3A_242 = arith.addf %scan3A_168, %get3A_241 : vector<16xf32>
        %add3A_243 = arith.constant 0 : i32
        %add3A_244 = arith.addi %mul3A_181, %add3A_243 : i32
        %swap3A_245 = arith.index_cast %add3A_244 : i32 to index
        %swap3A_246 = arith.constant 64 : index
        %swap3A_247 = tpu.vector_load %arg6[%swap3A_245, %swap3A_246] {strides = array<i32>} : memref<64x256xf32, #tpu.memory_space<vmem>>, vector<1x16xf32>,
        %swap3A_248 = vector.shape_cast %swap3A_247 : vector<1x16xf32> to vector<16xf32>
        %swap3A_249 = vector.shape_cast %add3A_242 : vector<16xf32> to vector<1x16xf32>
        tpu.vector_store %arg6[%swap3A_245, %swap3A_246], %swap3A_249 {strides = array<i32>} : memref<64x256xf32, #tpu.memory_space<vmem>>, vector<1x16xf32>,
        %add3A_250 = arith.constant 0 : i32
        %add3A_251 = arith.addi %mul3A_181, %add3A_250 : i32
        %get3A_252 = arith.index_cast %add3A_251 : i32 to index
        %get3A_253 = arith.constant 80 : index
        %get3A_254 = tpu.vector_load %arg4[%get3A_252, %get3A_253] {strides = array<i32>} : memref<64x256xf32, #tpu.memory_space<vmem>>, vector<1x16xf32>,
        %get3A_255 = vector.shape_cast %get3A_254 : vector<1x16xf32> to vector<16xf32>
        %add3A_256 = arith.addf %scan3A_169, %get3A_255 : vector<16xf32>
        %add3A_257 = arith.constant 0 : i32
        %add3A_258 = arith.addi %mul3A_181, %add3A_257 : i32
        %swap3A_259 = arith.index_cast %add3A_258 : i32 to index
        %swap3A_260 = arith.constant 80 : index
        %swap3A_261 = tpu.vector_load %arg6[%swap3A_259, %swap3A_260] {strides = array<i32>} : memref<64x256xf32, #tpu.memory_space<vmem>>, vector<1x16xf32>,
        %swap3A_262 = vector.shape_cast %swap3A_261 : vector<1x16xf32> to vector<16xf32>
        %swap3A_263 = vector.shape_cast %add3A_256 : vector<16xf32> to vector<1x16xf32>
        tpu.vector_store %arg6[%swap3A_259, %swap3A_260], %swap3A_263 {strides = array<i32>} : memref<64x256xf32, #tpu.memory_space<vmem>>, vector<1x16xf32>,
        %add3A_264 = arith.constant 0 : i32
        %add3A_265 = arith.addi %mul3A_181, %add3A_264 : i32
        %get3A_266 = arith.index_cast %add3A_265 : i32 to index
        %get3A_267 = arith.constant 96 : index
        %get3A_268 = tpu.vector_load %arg4[%get3A_266, %get3A_267] {strides = array<i32>} : memref<64x256xf32, #tpu.memory_space<vmem>>, vector<1x16xf32>,
        %get3A_269 = vector.shape_cast %get3A_268 : vector<1x16xf32> to vector<16xf32>
        %add3A_270 = arith.addf %scan3A_170, %get3A_269 : vector<16xf32>
        %add3A_271 = arith.constant 0 : i32
        %add3A_272 = arith.addi %mul3A_181, %add3A_271 : i32
        %swap3A_273 = arith.index_cast %add3A_272 : i32 to index
        %swap3A_274 = arith.constant 96 : index
        %swap3A_275 = tpu.vector_load %arg6[%swap3A_273, %swap3A_274] {strides = array<i32>} : memref<64x256xf32, #tpu.memory_space<vmem>>, vector<1x16xf32>,
        %swap3A_276 = vector.shape_cast %swap3A_275 : vector<1x16xf32> to vector<16xf32>
        %swap3A_277 = vector.shape_cast %add3A_270 : vector<16xf32> to vector<1x16xf32>
        tpu.vector_store %arg6[%swap3A_273, %swap3A_274], %swap3A_277 {strides = array<i32>} : memref<64x256xf32, #tpu.memory_space<vmem>>, vector<1x16xf32>,
        %add3A_278 = arith.constant 0 : i32
        %add3A_279 = arith.addi %mul3A_181, %add3A_278 : i32
        %get3A_280 = arith.index_cast %add3A_279 : i32 to index
        %get3A_281 = arith.constant 112 : index
        %get3A_282 = tpu.vector_load %arg4[%get3A_280, %get3A_281] {strides = array<i32>} : memref<64x256xf32, #tpu.memory_space<vmem>>, vector<1x16xf32>,
        %get3A_283 = vector.shape_cast %get3A_282 : vector<1x16xf32> to vector<16xf32>
        %add3A_284 = arith.addf %scan3A_171, %get3A_283 : vector<16xf32>
        %add3A_285 = arith.constant 0 : i32
        %add3A_286 = arith.addi %mul3A_181, %add3A_285 : i32
        %swap3A_287 = arith.index_cast %add3A_286 : i32 to index
        %swap3A_288 = arith.constant 112 : index
        %swap3A_289 = tpu.vector_load %arg6[%swap3A_287, %swap3A_288] {strides = array<i32>} : memref<64x256xf32, #tpu.memory_space<vmem>>, vector<1x16xf32>,
        %swap3A_290 = vector.shape_cast %swap3A_289 : vector<1x16xf32> to vector<16xf32>
        %swap3A_291 = vector.shape_cast %add3A_284 : vector<16xf32> to vector<1x16xf32>
        tpu.vector_store %arg6[%swap3A_287, %swap3A_288], %swap3A_291 {strides = array<i32>} : memref<64x256xf32, #tpu.memory_space<vmem>>, vector<1x16xf32>,
        %add3A_292 = arith.constant 0 : i32
        %add3A_293 = arith.addi %mul3A_181, %add3A_292 : i32
        %get3A_294 = arith.index_cast %add3A_293 : i32 to index
        %get3A_295 = arith.constant 128 : index
        %get3A_296 = tpu.vector_load %arg4[%get3A_294, %get3A_295] {strides = array<i32>} : memref<64x256xf32, #tpu.memory_space<vmem>>, vector<1x16xf32>,
        %get3A_297 = vector.shape_cast %get3A_296 : vector<1x16xf32> to vector<16xf32>
        %add3A_298 = arith.addf %scan3A_172, %get3A_297 : vector<16xf32>
        %add3A_299 = arith.constant 0 : i32
        %add3A_300 = arith.addi %mul3A_181, %add3A_299 : i32
        %swap3A_301 = arith.index_cast %add3A_300 : i32 to index
        %swap3A_302 = arith.constant 128 : index
        %swap3A_303 = tpu.vector_load %arg6[%swap3A_301, %swap3A_302] {strides = array<i32>} : memref<64x256xf32, #tpu.memory_space<vmem>>, vector<1x16xf32>,
        %swap3A_304 = vector.shape_cast %swap3A_303 : vector<1x16xf32> to vector<16xf32>
        %swap3A_305 = vector.shape_cast %add3A_298 : vector<16xf32> to vector<1x16xf32>
        tpu.vector_store %arg6[%swap3A_301, %swap3A_302], %swap3A_305 {strides = array<i32>} : memref<64x256xf32, #tpu.memory_space<vmem>>, vector<1x16xf32>,
        %add3A_306 = arith.constant 0 : i32
        %add3A_307 = arith.addi %mul3A_181, %add3A_306 : i32
        %get3A_308 = arith.index_cast %add3A_307 : i32 to index
        %get3A_309 = arith.constant 144 : index
        %get3A_310 = tpu.vector_load %arg4[%get3A_308, %get3A_309] {strides = array<i32>} : memref<64x256xf32, #tpu.memory_space<vmem>>, vector<1x16xf32>,
        %get3A_311 = vector.shape_cast %get3A_310 : vector<1x16xf32> to vector<16xf32>
        %add3A_312 = arith.addf %scan3A_173, %get3A_311 : vector<16xf32>
        %add3A_313 = arith.constant 0 : i32
        %add3A_314 = arith.addi %mul3A_181, %add3A_313 : i32
        %swap3A_315 = arith.index_cast %add3A_314 : i32 to index
        %swap3A_316 = arith.constant 144 : index
        %swap3A_317 = tpu.vector_load %arg6[%swap3A_315, %swap3A_316] {strides = array<i32>} : memref<64x256xf32, #tpu.memory_space<vmem>>, vector<1x16xf32>,
        %swap3A_318 = vector.shape_cast %swap3A_317 : vector<1x16xf32> to vector<16xf32>
        %swap3A_319 = vector.shape_cast %add3A_312 : vector<16xf32> to vector<1x16xf32>
        tpu.vector_store %arg6[%swap3A_315, %swap3A_316], %swap3A_319 {strides = array<i32>} : memref<64x256xf32, #tpu.memory_space<vmem>>, vector<1x16xf32>,
        %add3A_320 = arith.constant 0 : i32
        %add3A_321 = arith.addi %mul3A_181, %add3A_320 : i32
        %get3A_322 = arith.index_cast %add3A_321 : i32 to index
        %get3A_323 = arith.constant 160 : index
        %get3A_324 = tpu.vector_load %arg4[%get3A_322, %get3A_323] {strides = array<i32>} : memref<64x256xf32, #tpu.memory_space<vmem>>, vector<1x16xf32>,
        %get3A_325 = vector.shape_cast %get3A_324 : vector<1x16xf32> to vector<16xf32>
        %add3A_326 = arith.addf %scan3A_174, %get3A_325 : vector<16xf32>
        %add3A_327 = arith.constant 0 : i32
        %add3A_328 = arith.addi %mul3A_181, %add3A_327 : i32
        %swap3A_329 = arith.index_cast %add3A_328 : i32 to index
        %swap3A_330 = arith.constant 160 : index
        %swap3A_331 = tpu.vector_load %arg6[%swap3A_329, %swap3A_330] {strides = array<i32>} : memref<64x256xf32, #tpu.memory_space<vmem>>, vector<1x16xf32>,
        %swap3A_332 = vector.shape_cast %swap3A_331 : vector<1x16xf32> to vector<16xf32>
        %swap3A_333 = vector.shape_cast %add3A_326 : vector<16xf32> to vector<1x16xf32>
        tpu.vector_store %arg6[%swap3A_329, %swap3A_330], %swap3A_333 {strides = array<i32>} : memref<64x256xf32, #tpu.memory_space<vmem>>, vector<1x16xf32>,
        %add3A_334 = arith.constant 0 : i32
        %add3A_335 = arith.addi %mul3A_181, %add3A_334 : i32
        %get3A_336 = arith.index_cast %add3A_335 : i32 to index
        %get3A_337 = arith.constant 176 : index
        %get3A_338 = tpu.vector_load %arg4[%get3A_336, %get3A_337] {strides = array<i32>} : memref<64x256xf32, #tpu.memory_space<vmem>>, vector<1x16xf32>,
        %get3A_339 = vector.shape_cast %get3A_338 : vector<1x16xf32> to vector<16xf32>
        %add3A_340 = arith.addf %scan3A_175, %get3A_339 : vector<16xf32>
        %add3A_341 = arith.constant 0 : i32
        %add3A_342 = arith.addi %mul3A_181, %add3A_341 : i32
        %swap3A_343 = arith.index_cast %add3A_342 : i32 to index
        %swap3A_344 = arith.constant 176 : index
        %swap3A_345 = tpu.vector_load %arg6[%swap3A_343, %swap3A_344] {strides = array<i32>} : memref<64x256xf32, #tpu.memory_space<vmem>>, vector<1x16xf32>,
        %swap3A_346 = vector.shape_cast %swap3A_345 : vector<1x16xf32> to vector<16xf32>
        %swap3A_347 = vector.shape_cast %add3A_340 : vector<16xf32> to vector<1x16xf32>
        tpu.vector_store %arg6[%swap3A_343, %swap3A_344], %swap3A_347 {strides = array<i32>} : memref<64x256xf32, #tpu.memory_space<vmem>>, vector<1x16xf32>,
        %add3A_348 = arith.constant 0 : i32
        %add3A_349 = arith.addi %mul3A_181, %add3A_348 : i32
        %get3A_350 = arith.index_cast %add3A_349 : i32 to index
        %get3A_351 = arith.constant 192 : index
        %get3A_352 = tpu.vector_load %arg4[%get3A_350, %get3A_351] {strides = array<i32>} : memref<64x256xf32, #tpu.memory_space<vmem>>, vector<1x16xf32>,
        %get3A_353 = vector.shape_cast %get3A_352 : vector<1x16xf32> to vector<16xf32>
        %add3A_354 = arith.addf %scan3A_176, %get3A_353 : vector<16xf32>
        %add3A_355 = arith.constant 0 : i32
        %add3A_356 = arith.addi %mul3A_181, %add3A_355 : i32
        %swap3A_357 = arith.index_cast %add3A_356 : i32 to index
        %swap3A_358 = arith.constant 192 : index
        %swap3A_359 = tpu.vector_load %arg6[%swap3A_357, %swap3A_358] {strides = array<i32>} : memref<64x256xf32, #tpu.memory_space<vmem>>, vector<1x16xf32>,
        %swap3A_360 = vector.shape_cast %swap3A_359 : vector<1x16xf32> to vector<16xf32>
        %swap3A_361 = vector.shape_cast %add3A_354 : vector<16xf32> to vector<1x16xf32>
        tpu.vector_store %arg6[%swap3A_357, %swap3A_358], %swap3A_361 {strides = array<i32>} : memref<64x256xf32, #tpu.memory_space<vmem>>, vector<1x16xf32>,
        %add3A_362 = arith.constant 0 : i32
        %add3A_363 = arith.addi %mul3A_181, %add3A_362 : i32
        %get3A_364 = arith.index_cast %add3A_363 : i32 to index
        %get3A_365 = arith.constant 208 : index
        %get3A_366 = tpu.vector_load %arg4[%get3A_364, %get3A_365] {strides = array<i32>} : memref<64x256xf32, #tpu.memory_space<vmem>>, vector<1x16xf32>,
        %get3A_367 = vector.shape_cast %get3A_366 : vector<1x16xf32> to vector<16xf32>
        %add3A_368 = arith.addf %scan3A_177, %get3A_367 : vector<16xf32>
        %add3A_369 = arith.constant 0 : i32
        %add3A_370 = arith.addi %mul3A_181, %add3A_369 : i32
        %swap3A_371 = arith.index_cast %add3A_370 : i32 to index
        %swap3A_372 = arith.constant 208 : index
        %swap3A_373 = tpu.vector_load %arg6[%swap3A_371, %swap3A_372] {strides = array<i32>} : memref<64x256xf32, #tpu.memory_space<vmem>>, vector<1x16xf32>,
        %swap3A_374 = vector.shape_cast %swap3A_373 : vector<1x16xf32> to vector<16xf32>
        %swap3A_375 = vector.shape_cast %add3A_368 : vector<16xf32> to vector<1x16xf32>
        tpu.vector_store %arg6[%swap3A_371, %swap3A_372], %swap3A_375 {strides = array<i32>} : memref<64x256xf32, #tpu.memory_space<vmem>>, vector<1x16xf32>,
        %add3A_376 = arith.constant 0 : i32
        %add3A_377 = arith.addi %mul3A_181, %add3A_376 : i32
        %get3A_378 = arith.index_cast %add3A_377 : i32 to index
        %get3A_379 = arith.constant 224 : index
        %get3A_380 = tpu.vector_load %arg4[%get3A_378, %get3A_379] {strides = array<i32>} : memref<64x256xf32, #tpu.memory_space<vmem>>, vector<1x16xf32>,
        %get3A_381 = vector.shape_cast %get3A_380 : vector<1x16xf32> to vector<16xf32>
        %add3A_382 = arith.addf %scan3A_178, %get3A_381 : vector<16xf32>
        %add3A_383 = arith.constant 0 : i32
        %add3A_384 = arith.addi %mul3A_181, %add3A_383 : i32
        %swap3A_385 = arith.index_cast %add3A_384 : i32 to index
        %swap3A_386 = arith.constant 224 : index
        %swap3A_387 = tpu.vector_load %arg6[%swap3A_385, %swap3A_386] {strides = array<i32>} : memref<64x256xf32, #tpu.memory_space<vmem>>, vector<1x16xf32>,
        %swap3A_388 = vector.shape_cast %swap3A_387 : vector<1x16xf32> to vector<16xf32>
        %swap3A_389 = vector.shape_cast %add3A_382 : vector<16xf32> to vector<1x16xf32>
        tpu.vector_store %arg6[%swap3A_385, %swap3A_386], %swap3A_389 {strides = array<i32>} : memref<64x256xf32, #tpu.memory_space<vmem>>, vector<1x16xf32>,
        %add3A_390 = arith.constant 0 : i32
        %add3A_391 = arith.addi %mul3A_181, %add3A_390 : i32
        %get3A_392 = arith.index_cast %add3A_391 : i32 to index
        %get3A_393 = arith.constant 240 : index
        %get3A_394 = tpu.vector_load %arg4[%get3A_392, %get3A_393] {strides = array<i32>} : memref<64x256xf32, #tpu.memory_space<vmem>>, vector<1x16xf32>,
        %get3A_395 = vector.shape_cast %get3A_394 : vector<1x16xf32> to vector<16xf32>
        %add3A_396 = arith.addf %scan3A_179, %get3A_395 : vector<16xf32>
        %add3A_397 = arith.constant 0 : i32
        %add3A_398 = arith.addi %mul3A_181, %add3A_397 : i32
        %swap3A_399 = arith.index_cast %add3A_398 : i32 to index
        %swap3A_400 = arith.constant 240 : index
        %swap3A_401 = tpu.vector_load %arg6[%swap3A_399, %swap3A_400] {strides = array<i32>} : memref<64x256xf32, #tpu.memory_space<vmem>>, vector<1x16xf32>,
        %swap3A_402 = vector.shape_cast %swap3A_401 : vector<1x16xf32> to vector<16xf32>
        %swap3A_403 = vector.shape_cast %add3A_396 : vector<16xf32> to vector<1x16xf32>
        tpu.vector_store %arg6[%swap3A_399, %swap3A_400], %swap3A_403 {strides = array<i32>} : memref<64x256xf32, #tpu.memory_space<vmem>>, vector<1x16xf32>,
        %add3A_404 = arith.constant 1 : i32
        %add3A_405 = arith.addi %mul3A_181, %add3A_404 : i32
        %get3A_406 = arith.index_cast %add3A_405 : i32 to index
        %get3A_407 = arith.constant 0 : index
        %get3A_408 = tpu.vector_load %arg4[%get3A_406, %get3A_407] {strides = array<i32>} : memref<64x256xf32, #tpu.memory_space<vmem>>, vector<1x16xf32>,
        %get3A_409 = vector.shape_cast %get3A_408 : vector<1x16xf32> to vector<16xf32>
        %add3A_410 = arith.addf %add3A_187, %get3A_409 : vector<16xf32>
        %add3A_411 = arith.constant 1 : i32
        %add3A_412 = arith.addi %mul3A_181, %add3A_411 : i32
        %swap3A_413 = arith.index_cast %add3A_412 : i32 to index
        %swap3A_414 = arith.constant 0 : index
        %swap3A_415 = tpu.vector_load %arg6[%swap3A_413, %swap3A_414] {strides = array<i32>} : memref<64x256xf32, #tpu.memory_space<vmem>>, vector<1x16xf32>,
        %swap3A_416 = vector.shape_cast %swap3A_415 : vector<1x16xf32> to vector<16xf32>
        %swap3A_417 = vector.shape_cast %add3A_410 : vector<16xf32> to vector<1x16xf32>
        tpu.vector_store %arg6[%swap3A_413, %swap3A_414], %swap3A_417 {strides = array<i32>} : memref<64x256xf32, #tpu.memory_space<vmem>>, vector<1x16xf32>,
        %add3A_418 = arith.constant 1 : i32
        %add3A_419 = arith.addi %mul3A_181, %add3A_418 : i32
        %get3A_420 = arith.index_cast %add3A_419 : i32 to index
        %get3A_421 = arith.constant 16 : index
        %get3A_422 = tpu.vector_load %arg4[%get3A_420, %get3A_421] {strides = array<i32>} : memref<64x256xf32, #tpu.memory_space<vmem>>, vector<1x16xf32>,
        %get3A_423 = vector.shape_cast %get3A_422 : vector<1x16xf32> to vector<16xf32>
        %add3A_424 = arith.addf %add3A_200, %get3A_423 : vector<16xf32>
        %add3A_425 = arith.constant 1 : i32
        %add3A_426 = arith.addi %mul3A_181, %add3A_425 : i32
        %swap3A_427 = arith.index_cast %add3A_426 : i32 to index
        %swap3A_428 = arith.constant 16 : index
        %swap3A_429 = tpu.vector_load %arg6[%swap3A_427, %swap3A_428] {strides = array<i32>} : memref<64x256xf32, #tpu.memory_space<vmem>>, vector<1x16xf32>,
        %swap3A_430 = vector.shape_cast %swap3A_429 : vector<1x16xf32> to vector<16xf32>
        %swap3A_431 = vector.shape_cast %add3A_424 : vector<16xf32> to vector<1x16xf32>
        tpu.vector_store %arg6[%swap3A_427, %swap3A_428], %swap3A_431 {strides = array<i32>} : memref<64x256xf32, #tpu.memory_space<vmem>>, vector<1x16xf32>,
        %add3A_432 = arith.constant 1 : i32
        %add3A_433 = arith.addi %mul3A_181, %add3A_432 : i32
        %get3A_434 = arith.index_cast %add3A_433 : i32 to index
        %get3A_435 = arith.constant 32 : index
        %get3A_436 = tpu.vector_load %arg4[%get3A_434, %get3A_435] {strides = array<i32>} : memref<64x256xf32, #tpu.memory_space<vmem>>, vector<1x16xf32>,
        %get3A_437 = vector.shape_cast %get3A_436 : vector<1x16xf32> to vector<16xf32>
        %add3A_438 = arith.addf %add3A_214, %get3A_437 : vector<16xf32>
        %add3A_439 = arith.constant 1 : i32
        %add3A_440 = arith.addi %mul3A_181, %add3A_439 : i32
        %swap3A_441 = arith.index_cast %add3A_440 : i32 to index
        %swap3A_442 = arith.constant 32 : index
        %swap3A_443 = tpu.vector_load %arg6[%swap3A_441, %swap3A_442] {strides = array<i32>} : memref<64x256xf32, #tpu.memory_space<vmem>>, vector<1x16xf32>,
        %swap3A_444 = vector.shape_cast %swap3A_443 : vector<1x16xf32> to vector<16xf32>
        %swap3A_445 = vector.shape_cast %add3A_438 : vector<16xf32> to vector<1x16xf32>
        tpu.vector_store %arg6[%swap3A_441, %swap3A_442], %swap3A_445 {strides = array<i32>} : memref<64x256xf32, #tpu.memory_space<vmem>>, vector<1x16xf32>,
        %add3A_446 = arith.constant 1 : i32
        %add3A_447 = arith.addi %mul3A_181, %add3A_446 : i32
        %get3A_448 = arith.index_cast %add3A_447 : i32 to index
        %get3A_449 = arith.constant 48 : index
        %get3A_450 = tpu.vector_load %arg4[%get3A_448, %get3A_449] {strides = array<i32>} : memref<64x256xf32, #tpu.memory_space<vmem>>, vector<1x16xf32>,
        %get3A_451 = vector.shape_cast %get3A_450 : vector<1x16xf32> to vector<16xf32>
        %add3A_452 = arith.addf %add3A_228, %get3A_451 : vector<16xf32>
        %add3A_453 = arith.constant 1 : i32
        %add3A_454 = arith.addi %mul3A_181, %add3A_453 : i32
        %swap3A_455 = arith.index_cast %add3A_454 : i32 to index
        %swap3A_456 = arith.constant 48 : index
        %swap3A_457 = tpu.vector_load %arg6[%swap3A_455, %swap3A_456] {strides = array<i32>} : memref<64x256xf32, #tpu.memory_space<vmem>>, vector<1x16xf32>,
        %swap3A_458 = vector.shape_cast %swap3A_457 : vector<1x16xf32> to vector<16xf32>
        %swap3A_459 = vector.shape_cast %add3A_452 : vector<16xf32> to vector<1x16xf32>
        tpu.vector_store %arg6[%swap3A_455, %swap3A_456], %swap3A_459 {strides = array<i32>} : memref<64x256xf32, #tpu.memory_space<vmem>>, vector<1x16xf32>,
        %add3A_460 = arith.constant 1 : i32
        %add3A_461 = arith.addi %mul3A_181, %add3A_460 : i32
        %get3A_462 = arith.index_cast %add3A_461 : i32 to index
        %get3A_463 = arith.constant 64 : index
        %get3A_464 = tpu.vector_load %arg4[%get3A_462, %get3A_463] {strides = array<i32>} : memref<64x256xf32, #tpu.memory_space<vmem>>, vector<1x16xf32>,
        %get3A_465 = vector.shape_cast %get3A_464 : vector<1x16xf32> to vector<16xf32>
        %add3A_466 = arith.addf %add3A_242, %get3A_465 : vector<16xf32>
        %add3A_467 = arith.constant 1 : i32
        %add3A_468 = arith.addi %mul3A_181, %add3A_467 : i32
        %swap3A_469 = arith.index_cast %add3A_468 : i32 to index
        %swap3A_470 = arith.constant 64 : index
        %swap3A_471 = tpu.vector_load %arg6[%swap3A_469, %swap3A_470] {strides = array<i32>} : memref<64x256xf32, #tpu.memory_space<vmem>>, vector<1x16xf32>,
        %swap3A_472 = vector.shape_cast %swap3A_471 : vector<1x16xf32> to vector<16xf32>
        %swap3A_473 = vector.shape_cast %add3A_466 : vector<16xf32> to vector<1x16xf32>
        tpu.vector_store %arg6[%swap3A_469, %swap3A_470], %swap3A_473 {strides = array<i32>} : memref<64x256xf32, #tpu.memory_space<vmem>>, vector<1x16xf32>,
        %add3A_474 = arith.constant 1 : i32
        %add3A_475 = arith.addi %mul3A_181, %add3A_474 : i32
        %get3A_476 = arith.index_cast %add3A_475 : i32 to index
        %get3A_477 = arith.constant 80 : index
        %get3A_478 = tpu.vector_load %arg4[%get3A_476, %get3A_477] {strides = array<i32>} : memref<64x256xf32, #tpu.memory_space<vmem>>, vector<1x16xf32>,
        %get3A_479 = vector.shape_cast %get3A_478 : vector<1x16xf32> to vector<16xf32>
        %add3A_480 = arith.addf %add3A_256, %get3A_479 : vector<16xf32>
        %add3A_481 = arith.constant 1 : i32
        %add3A_482 = arith.addi %mul3A_181, %add3A_481 : i32
        %swap3A_483 = arith.index_cast %add3A_482 : i32 to index
        %swap3A_484 = arith.constant 80 : index
        %swap3A_485 = tpu.vector_load %arg6[%swap3A_483, %swap3A_484] {strides = array<i32>} : memref<64x256xf32, #tpu.memory_space<vmem>>, vector<1x16xf32>,
        %swap3A_486 = vector.shape_cast %swap3A_485 : vector<1x16xf32> to vector<16xf32>
        %swap3A_487 = vector.shape_cast %add3A_480 : vector<16xf32> to vector<1x16xf32>
        tpu.vector_store %arg6[%swap3A_483, %swap3A_484], %swap3A_487 {strides = array<i32>} : memref<64x256xf32, #tpu.memory_space<vmem>>, vector<1x16xf32>,
        %add3A_488 = arith.constant 1 : i32
        %add3A_489 = arith.addi %mul3A_181, %add3A_488 : i32
        %get3A_490 = arith.index_cast %add3A_489 : i32 to index
        %get3A_491 = arith.constant 96 : index
        %get3A_492 = tpu.vector_load %arg4[%get3A_490, %get3A_491] {strides = array<i32>} : memref<64x256xf32, #tpu.memory_space<vmem>>, vector<1x16xf32>,
        %get3A_493 = vector.shape_cast %get3A_492 : vector<1x16xf32> to vector<16xf32>
        %add3A_494 = arith.addf %add3A_270, %get3A_493 : vector<16xf32>
        %add3A_495 = arith.constant 1 : i32
        %add3A_496 = arith.addi %mul3A_181, %add3A_495 : i32
        %swap3A_497 = arith.index_cast %add3A_496 : i32 to index
        %swap3A_498 = arith.constant 96 : index
        %swap3A_499 = tpu.vector_load %arg6[%swap3A_497, %swap3A_498] {strides = array<i32>} : memref<64x256xf32, #tpu.memory_space<vmem>>, vector<1x16xf32>,
        %swap3A_500 = vector.shape_cast %swap3A_499 : vector<1x16xf32> to vector<16xf32>
        %swap3A_501 = vector.shape_cast %add3A_494 : vector<16xf32> to vector<1x16xf32>
        tpu.vector_store %arg6[%swap3A_497, %swap3A_498], %swap3A_501 {strides = array<i32>} : memref<64x256xf32, #tpu.memory_space<vmem>>, vector<1x16xf32>,
        %add3A_502 = arith.constant 1 : i32
        %add3A_503 = arith.addi %mul3A_181, %add3A_502 : i32
        %get3A_504 = arith.index_cast %add3A_503 : i32 to index
        %get3A_505 = arith.constant 112 : index
        %get3A_506 = tpu.vector_load %arg4[%get3A_504, %get3A_505] {strides = array<i32>} : memref<64x256xf32, #tpu.memory_space<vmem>>, vector<1x16xf32>,
        %get3A_507 = vector.shape_cast %get3A_506 : vector<1x16xf32> to vector<16xf32>
        %add3A_508 = arith.addf %add3A_284, %get3A_507 : vector<16xf32>
        %add3A_509 = arith.constant 1 : i32
        %add3A_510 = arith.addi %mul3A_181, %add3A_509 : i32
        %swap3A_511 = arith.index_cast %add3A_510 : i32 to index
        %swap3A_512 = arith.constant 112 : index
        %swap3A_513 = tpu.vector_load %arg6[%swap3A_511, %swap3A_512] {strides = array<i32>} : memref<64x256xf32, #tpu.memory_space<vmem>>, vector<1x16xf32>,
        %swap3A_514 = vector.shape_cast %swap3A_513 : vector<1x16xf32> to vector<16xf32>
        %swap3A_515 = vector.shape_cast %add3A_508 : vector<16xf32> to vector<1x16xf32>
        tpu.vector_store %arg6[%swap3A_511, %swap3A_512], %swap3A_515 {strides = array<i32>} : memref<64x256xf32, #tpu.memory_space<vmem>>, vector<1x16xf32>,
        %add3A_516 = arith.constant 1 : i32
        %add3A_517 = arith.addi %mul3A_181, %add3A_516 : i32
        %get3A_518 = arith.index_cast %add3A_517 : i32 to index
        %get3A_519 = arith.constant 128 : index
        %get3A_520 = tpu.vector_load %arg4[%get3A_518, %get3A_519] {strides = array<i32>} : memref<64x256xf32, #tpu.memory_space<vmem>>, vector<1x16xf32>,
        %get3A_521 = vector.shape_cast %get3A_520 : vector<1x16xf32> to vector<16xf32>
        %add3A_522 = arith.addf %add3A_298, %get3A_521 : vector<16xf32>
        %add3A_523 = arith.constant 1 : i32
        %add3A_524 = arith.addi %mul3A_181, %add3A_523 : i32
        %swap3A_525 = arith.index_cast %add3A_524 : i32 to index
        %swap3A_526 = arith.constant 128 : index
        %swap3A_527 = tpu.vector_load %arg6[%swap3A_525, %swap3A_526] {strides = array<i32>} : memref<64x256xf32, #tpu.memory_space<vmem>>, vector<1x16xf32>,
        %swap3A_528 = vector.shape_cast %swap3A_527 : vector<1x16xf32> to vector<16xf32>
        %swap3A_529 = vector.shape_cast %add3A_522 : vector<16xf32> to vector<1x16xf32>
        tpu.vector_store %arg6[%swap3A_525, %swap3A_526], %swap3A_529 {strides = array<i32>} : memref<64x256xf32, #tpu.memory_space<vmem>>, vector<1x16xf32>,
        %add3A_530 = arith.constant 1 : i32
        %add3A_531 = arith.addi %mul3A_181, %add3A_530 : i32
        %get3A_532 = arith.index_cast %add3A_531 : i32 to index
        %get3A_533 = arith.constant 144 : index
        %get3A_534 = tpu.vector_load %arg4[%get3A_532, %get3A_533] {strides = array<i32>} : memref<64x256xf32, #tpu.memory_space<vmem>>, vector<1x16xf32>,
        %get3A_535 = vector.shape_cast %get3A_534 : vector<1x16xf32> to vector<16xf32>
        %add3A_536 = arith.addf %add3A_312, %get3A_535 : vector<16xf32>
        %add3A_537 = arith.constant 1 : i32
        %add3A_538 = arith.addi %mul3A_181, %add3A_537 : i32
        %swap3A_539 = arith.index_cast %add3A_538 : i32 to index
        %swap3A_540 = arith.constant 144 : index
        %swap3A_541 = tpu.vector_load %arg6[%swap3A_539, %swap3A_540] {strides = array<i32>} : memref<64x256xf32, #tpu.memory_space<vmem>>, vector<1x16xf32>,
        %swap3A_542 = vector.shape_cast %swap3A_541 : vector<1x16xf32> to vector<16xf32>
        %swap3A_543 = vector.shape_cast %add3A_536 : vector<16xf32> to vector<1x16xf32>
        tpu.vector_store %arg6[%swap3A_539, %swap3A_540], %swap3A_543 {strides = array<i32>} : memref<64x256xf32, #tpu.memory_space<vmem>>, vector<1x16xf32>,
        %add3A_544 = arith.constant 1 : i32
        %add3A_545 = arith.addi %mul3A_181, %add3A_544 : i32
        %get3A_546 = arith.index_cast %add3A_545 : i32 to index
        %get3A_547 = arith.constant 160 : index
        %get3A_548 = tpu.vector_load %arg4[%get3A_546, %get3A_547] {strides = array<i32>} : memref<64x256xf32, #tpu.memory_space<vmem>>, vector<1x16xf32>,
        %get3A_549 = vector.shape_cast %get3A_548 : vector<1x16xf32> to vector<16xf32>
        %add3A_550 = arith.addf %add3A_326, %get3A_549 : vector<16xf32>
        %add3A_551 = arith.constant 1 : i32
        %add3A_552 = arith.addi %mul3A_181, %add3A_551 : i32
        %swap3A_553 = arith.index_cast %add3A_552 : i32 to index
        %swap3A_554 = arith.constant 160 : index
        %swap3A_555 = tpu.vector_load %arg6[%swap3A_553, %swap3A_554] {strides = array<i32>} : memref<64x256xf32, #tpu.memory_space<vmem>>, vector<1x16xf32>,
        %swap3A_556 = vector.shape_cast %swap3A_555 : vector<1x16xf32> to vector<16xf32>
        %swap3A_557 = vector.shape_cast %add3A_550 : vector<16xf32> to vector<1x16xf32>
        tpu.vector_store %arg6[%swap3A_553, %swap3A_554], %swap3A_557 {strides = array<i32>} : memref<64x256xf32, #tpu.memory_space<vmem>>, vector<1x16xf32>,
        %add3A_558 = arith.constant 1 : i32
        %add3A_559 = arith.addi %mul3A_181, %add3A_558 : i32
        %get3A_560 = arith.index_cast %add3A_559 : i32 to index
        %get3A_561 = arith.constant 176 : index
        %get3A_562 = tpu.vector_load %arg4[%get3A_560, %get3A_561] {strides = array<i32>} : memref<64x256xf32, #tpu.memory_space<vmem>>, vector<1x16xf32>,
        %get3A_563 = vector.shape_cast %get3A_562 : vector<1x16xf32> to vector<16xf32>
        %add3A_564 = arith.addf %add3A_340, %get3A_563 : vector<16xf32>
        %add3A_565 = arith.constant 1 : i32
        %add3A_566 = arith.addi %mul3A_181, %add3A_565 : i32
        %swap3A_567 = arith.index_cast %add3A_566 : i32 to index
        %swap3A_568 = arith.constant 176 : index
        %swap3A_569 = tpu.vector_load %arg6[%swap3A_567, %swap3A_568] {strides = array<i32>} : memref<64x256xf32, #tpu.memory_space<vmem>>, vector<1x16xf32>,
        %swap3A_570 = vector.shape_cast %swap3A_569 : vector<1x16xf32> to vector<16xf32>
        %swap3A_571 = vector.shape_cast %add3A_564 : vector<16xf32> to vector<1x16xf32>
        tpu.vector_store %arg6[%swap3A_567, %swap3A_568], %swap3A_571 {strides = array<i32>} : memref<64x256xf32, #tpu.memory_space<vmem>>, vector<1x16xf32>,
        %add3A_572 = arith.constant 1 : i32
        %add3A_573 = arith.addi %mul3A_181, %add3A_572 : i32
        %get3A_574 = arith.index_cast %add3A_573 : i32 to index
        %get3A_575 = arith.constant 192 : index
        %get3A_576 = tpu.vector_load %arg4[%get3A_574, %get3A_575] {strides = array<i32>} : memref<64x256xf32, #tpu.memory_space<vmem>>, vector<1x16xf32>,
        %get3A_577 = vector.shape_cast %get3A_576 : vector<1x16xf32> to vector<16xf32>
        %add3A_578 = arith.addf %add3A_354, %get3A_577 : vector<16xf32>
        %add3A_579 = arith.constant 1 : i32
        %add3A_580 = arith.addi %mul3A_181, %add3A_579 : i32
        %swap3A_581 = arith.index_cast %add3A_580 : i32 to index
        %swap3A_582 = arith.constant 192 : index
        %swap3A_583 = tpu.vector_load %arg6[%swap3A_581, %swap3A_582] {strides = array<i32>} : memref<64x256xf32, #tpu.memory_space<vmem>>, vector<1x16xf32>,
        %swap3A_584 = vector.shape_cast %swap3A_583 : vector<1x16xf32> to vector<16xf32>
        %swap3A_585 = vector.shape_cast %add3A_578 : vector<16xf32> to vector<1x16xf32>
        tpu.vector_store %arg6[%swap3A_581, %swap3A_582], %swap3A_585 {strides = array<i32>} : memref<64x256xf32, #tpu.memory_space<vmem>>, vector<1x16xf32>,
        %add3A_586 = arith.constant 1 : i32
        %add3A_587 = arith.addi %mul3A_181, %add3A_586 : i32
        %get3A_588 = arith.index_cast %add3A_587 : i32 to index
        %get3A_589 = arith.constant 208 : index
        %get3A_590 = tpu.vector_load %arg4[%get3A_588, %get3A_589] {strides = array<i32>} : memref<64x256xf32, #tpu.memory_space<vmem>>, vector<1x16xf32>,
        %get3A_591 = vector.shape_cast %get3A_590 : vector<1x16xf32> to vector<16xf32>
        %add3A_592 = arith.addf %add3A_368, %get3A_591 : vector<16xf32>
        %add3A_593 = arith.constant 1 : i32
        %add3A_594 = arith.addi %mul3A_181, %add3A_593 : i32
        %swap3A_595 = arith.index_cast %add3A_594 : i32 to index
        %swap3A_596 = arith.constant 208 : index
        %swap3A_597 = tpu.vector_load %arg6[%swap3A_595, %swap3A_596] {strides = array<i32>} : memref<64x256xf32, #tpu.memory_space<vmem>>, vector<1x16xf32>,
        %swap3A_598 = vector.shape_cast %swap3A_597 : vector<1x16xf32> to vector<16xf32>
        %swap3A_599 = vector.shape_cast %add3A_592 : vector<16xf32> to vector<1x16xf32>
        tpu.vector_store %arg6[%swap3A_595, %swap3A_596], %swap3A_599 {strides = array<i32>} : memref<64x256xf32, #tpu.memory_space<vmem>>, vector<1x16xf32>,
        %add3A_600 = arith.constant 1 : i32
        %add3A_601 = arith.addi %mul3A_181, %add3A_600 : i32
        %get3A_602 = arith.index_cast %add3A_601 : i32 to index
        %get3A_603 = arith.constant 224 : index
        %get3A_604 = tpu.vector_load %arg4[%get3A_602, %get3A_603] {strides = array<i32>} : memref<64x256xf32, #tpu.memory_space<vmem>>, vector<1x16xf32>,
        %get3A_605 = vector.shape_cast %get3A_604 : vector<1x16xf32> to vector<16xf32>
        %add3A_606 = arith.addf %add3A_382, %get3A_605 : vector<16xf32>
        %add3A_607 = arith.constant 1 : i32
        %add3A_608 = arith.addi %mul3A_181, %add3A_607 : i32
        %swap3A_609 = arith.index_cast %add3A_608 : i32 to index
        %swap3A_610 = arith.constant 224 : index
        %swap3A_611 = tpu.vector_load %arg6[%swap3A_609, %swap3A_610] {strides = array<i32>} : memref<64x256xf32, #tpu.memory_space<vmem>>, vector<1x16xf32>,
        %swap3A_612 = vector.shape_cast %swap3A_611 : vector<1x16xf32> to vector<16xf32>
        %swap3A_613 = vector.shape_cast %add3A_606 : vector<16xf32> to vector<1x16xf32>
        tpu.vector_store %arg6[%swap3A_609, %swap3A_610], %swap3A_613 {strides = array<i32>} : memref<64x256xf32, #tpu.memory_space<vmem>>, vector<1x16xf32>,
        %add3A_614 = arith.constant 1 : i32
        %add3A_615 = arith.addi %mul3A_181, %add3A_614 : i32
        %get3A_616 = arith.index_cast %add3A_615 : i32 to index
        %get3A_617 = arith.constant 240 : index
        %get3A_618 = tpu.vector_load %arg4[%get3A_616, %get3A_617] {strides = array<i32>} : memref<64x256xf32, #tpu.memory_space<vmem>>, vector<1x16xf32>,
        %get3A_619 = vector.shape_cast %get3A_618 : vector<1x16xf32> to vector<16xf32>
        %add3A_620 = arith.addf %add3A_396, %get3A_619 : vector<16xf32>
        %add3A_621 = arith.constant 1 : i32
        %add3A_622 = arith.addi %mul3A_181, %add3A_621 : i32
        %swap3A_623 = arith.index_cast %add3A_622 : i32 to index
        %swap3A_624 = arith.constant 240 : index
        %swap3A_625 = tpu.vector_load %arg6[%swap3A_623, %swap3A_624] {strides = array<i32>} : memref<64x256xf32, #tpu.memory_space<vmem>>, vector<1x16xf32>,
        %swap3A_626 = vector.shape_cast %swap3A_625 : vector<1x16xf32> to vector<16xf32>
        %swap3A_627 = vector.shape_cast %add3A_620 : vector<16xf32> to vector<1x16xf32>
        tpu.vector_store %arg6[%swap3A_623, %swap3A_624], %swap3A_627 {strides = array<i32>} : memref<64x256xf32, #tpu.memory_space<vmem>>, vector<1x16xf32>,
        scf.yield %add3A_410, %add3A_424, %add3A_438, %add3A_452, %add3A_466, %add3A_480, %add3A_494, %add3A_508, %add3A_522, %add3A_536, %add3A_550, %add3A_564, %add3A_578, %add3A_592, %add3A_606, %add3A_620 : vector<16xf32>, vector<16xf32>, vector<16xf32>, vector<16xf32>, vector<16xf32>, vector<16xf32>, vector<16xf32>, vector<16xf32>, vector<16xf32>, vector<16xf32>, vector<16xf32>, vector<16xf32>, vector<16xf32>, vector<16xf32>, vector<16xf32>, vector<16xf32>
      }
      %scan3A_118 = arith.constant 32 : i32
      %mul3A_119 = arith.constant 64 : i32
      %mul3A_120 = arith.muli %add3A_105, %mul3A_119 : i32
      %add3A_121 = arith.addi %mul3A_32, %mul3A_120 : i32
      %dma_start3A_122 = tpu.memref_slice %arg3[%add3A_121, %mul3A_34] : memref<16384x2048xf32, #tpu.memory_space<hbm>> -> memref<64x256xf32, #tpu.memory_space<hbm>>
      %dma_start3A_123 = tpu.memref_slice %arg3[%add3A_121, %mul3A_34] : memref<16384x2048xf32, #tpu.memory_space<hbm>> -> memref<64x256xf32, #tpu.memory_space<hbm>>
      tpu.enqueue_dma source(%arg6 : memref<64x256xf32, #tpu.memory_space<vmem>>) target(%dma_start3A_123 : memref<64x256xf32, #tpu.memory_space<hbm>>) target_semaphore(%arg10 : memref<!tpu.dma_semaphore, #tpu.memory_space<semaphore_mem>>)
      %add3A_124 = arith.constant 2 : i32
      %add3A_125 = arith.addi %add3A_105, %add3A_124 : i32
      %lt3A_126 = arith.constant 64 : i32
      %lt3A_127 = arith.cmpi slt, %add3A_125, %lt3A_126 : i32
      %convert_element_type3A_128 = arith.extui %lt3A_127 : i1 to i32
      %cond3A_129 = arith.constant 0 : i32
      %cond3A_130 = arith.cmpi ne, %convert_element_type3A_128, %cond3A_129 : i32
      scf.if %cond3A_130 {
        %add3A_163 = arith.constant 2 : i32
        %add3A_164 = arith.addi %add3A_105, %add3A_163 : i32
        %mul3A_165 = arith.constant 64 : i32
        %mul3A_166 = arith.muli %add3A_164, %mul3A_165 : i32
        %add3A_167 = arith.addi %mul3A_32, %mul3A_166 : i32
        %dma_start3A_168 = tpu.memref_slice %arg2[%add3A_167, %mul3A_34] : memref<16384x2048xf32, #tpu.memory_space<hbm>> -> memref<64x256xf32, #tpu.memory_space<hbm>>
        %dma_start3A_169 = tpu.memref_slice %arg2[%add3A_167, %mul3A_34] : memref<16384x2048xf32, #tpu.memory_space<hbm>> -> memref<64x256xf32, #tpu.memory_space<hbm>>
        tpu.enqueue_dma source(%dma_start3A_169 : memref<64x256xf32, #tpu.memory_space<hbm>>) target(%arg4 : memref<64x256xf32, #tpu.memory_space<vmem>>) target_semaphore(%arg8 : memref<!tpu.dma_semaphore, #tpu.memory_space<semaphore_mem>>)
      } else {
      }
      %mul3A_131 = arith.constant 2 : i32
      %mul3A_132 = arith.muli %mul3A_131, %scan3A_85 : i32
      %add3A_133 = arith.constant 1 : i32
      %add3A_134 = arith.addi %mul3A_132, %add3A_133 : i32
      %mul3A_135 = arith.constant 64 : i32
      %mul3A_136 = arith.muli %add3A_134, %mul3A_135 : i32
      %add3A_137 = arith.addi %mul3A_32, %mul3A_136 : i32
      %dma_wait3A_138 = tpu.memref_slice %arg2[%add3A_137, %mul3A_34] : memref<16384x2048xf32, #tpu.memory_space<hbm>> -> memref<64x256xf32, #tpu.memory_space<hbm>>
      %dma_wait3A_139 = tpu.memref_slice %arg2[%add3A_137, %mul3A_34] : memref<16384x2048xf32, #tpu.memory_space<hbm>> -> memref<64x256xf32, #tpu.memory_space<hbm>>
      tpu.wait_dma2 semaphore(%arg9 : memref<!tpu.dma_semaphore, #tpu.memory_space<semaphore_mem>>) src(%dma_wait3A_139 : memref<64x256xf32, #tpu.memory_space<hbm>>) dst(%arg5 : memref<64x256xf32, #tpu.memory_space<vmem>>)
      %gt3A_140 = arith.constant 0 : i32
      %gt3A_141 = arith.cmpi sgt, %scan3A_85, %gt3A_140 : i32
      %convert_element_type3A_142 = arith.extui %gt3A_141 : i1 to i32
      %cond3A_143 = arith.constant 0 : i32
      %cond3A_144 = arith.cmpi ne, %convert_element_type3A_142, %cond3A_143 : i32
      scf.if %cond3A_144 {
        %mul3A_163 = arith.constant 64 : i32
        %mul3A_164 = arith.muli %add3A_134, %mul3A_163 : i32
        %add3A_165 = arith.addi %mul3A_32, %mul3A_164 : i32
        %dma_wait3A_166 = tpu.memref_slice %arg3[%add3A_165, %mul3A_34] : memref<16384x2048xf32, #tpu.memory_space<hbm>> -> memref<64x256xf32, #tpu.memory_space<hbm>>
        %dma_wait3A_167 = tpu.memref_slice %arg3[%add3A_165, %mul3A_34] : memref<16384x2048xf32, #tpu.memory_space<hbm>> -> memref<64x256xf32, #tpu.memory_space<hbm>>
        tpu.wait_dma2 semaphore(%arg11 : memref<!tpu.dma_semaphore, #tpu.memory_space<semaphore_mem>>) src(%arg7 : memref<64x256xf32, #tpu.memory_space<vmem>>) dst(%dma_wait3A_167 : memref<64x256xf32, #tpu.memory_space<hbm>>)
      } else {
      }
      %scan3A_145 = arith.constant 0 : i32
      %scan3A_146 = arith.constant 32 : i32
      %scan3A_147 = arith.addi %scan3A_145, %scan3A_146 : i32
      %scan3A_148 = arith.constant 1 : i32
      %scan3A_149:16 = scf.for %scan3A_163 = %scan3A_145 to %scan3A_147 step %scan3A_148 iter_args(%scan3A_164 = %scan3A_117#0, %scan3A_165 = %scan3A_117#1, %scan3A_166 = %scan3A_117#2, %scan3A_167 = %scan3A_117#3, %scan3A_168 = %scan3A_117#4, %scan3A_169 = %scan3A_117#5, %scan3A_170 = %scan3A_117#6, %scan3A_171 = %scan3A_117#7, %scan3A_172 = %scan3A_117#8, %scan3A_173 = %scan3A_117#9, %scan3A_174 = %scan3A_117#10, %scan3A_175 = %scan3A_117#11, %scan3A_176 = %scan3A_117#12, %scan3A_177 = %scan3A_117#13, %scan3A_178 = %scan3A_117#14, %scan3A_179 = %scan3A_117#15) -> (vector<16xf32>, vector<16xf32>, vector<16xf32>, vector<16xf32>, vector<16xf32>, vector<16xf32>, vector<16xf32>, vector<16xf32>, vector<16xf32>, vector<16xf32>, vector<16xf32>, vector<16xf32>, vector<16xf32>, vector<16xf32>, vector<16xf32>, vector<16xf32>)  : i32 {
        %mul3A_180 = arith.constant 2 : i32
        %mul3A_181 = arith.muli %scan3A_163, %mul3A_180 : i32
        %add3A_182 = arith.constant 0 : i32
        %add3A_183 = arith.addi %mul3A_181, %add3A_182 : i32
        %get3A = arith.index_cast %add3A_183 : i32 to index
        %get3A_184 = arith.constant 0 : index
        %get3A_185 = tpu.vector_load %arg5[%get3A, %get3A_184] {strides = array<i32>} : memref<64x256xf32, #tpu.memory_space<vmem>>, vector<1x16xf32>,
        %get3A_186 = vector.shape_cast %get3A_185 : vector<1x16xf32> to vector<16xf32>
        %add3A_187 = arith.addf %scan3A_164, %get3A_186 : vector<16xf32>
        %add3A_188 = arith.constant 0 : i32
        %add3A_189 = arith.addi %mul3A_181, %add3A_188 : i32
        %swap3A = arith.index_cast %add3A_189 : i32 to index
        %swap3A_190 = arith.constant 0 : index
        %swap3A_191 = tpu.vector_load %arg7[%swap3A, %swap3A_190] {strides = array<i32>} : memref<64x256xf32, #tpu.memory_space<vmem>>, vector<1x16xf32>,
        %swap3A_192 = vector.shape_cast %swap3A_191 : vector<1x16xf32> to vector<16xf32>
        %swap3A_193 = vector.shape_cast %add3A_187 : vector<16xf32> to vector<1x16xf32>
        tpu.vector_store %arg7[%swap3A, %swap3A_190], %swap3A_193 {strides = array<i32>} : memref<64x256xf32, #tpu.memory_space<vmem>>, vector<1x16xf32>,
        %add3A_194 = arith.constant 0 : i32
        %add3A_195 = arith.addi %mul3A_181, %add3A_194 : i32
        %get3A_196 = arith.index_cast %add3A_195 : i32 to index
        %get3A_197 = arith.constant 16 : index
        %get3A_198 = tpu.vector_load %arg5[%get3A_196, %get3A_197] {strides = array<i32>} : memref<64x256xf32, #tpu.memory_space<vmem>>, vector<1x16xf32>,
        %get3A_199 = vector.shape_cast %get3A_198 : vector<1x16xf32> to vector<16xf32>
        %add3A_200 = arith.addf %scan3A_165, %get3A_199 : vector<16xf32>
        %add3A_201 = arith.constant 0 : i32
        %add3A_202 = arith.addi %mul3A_181, %add3A_201 : i32
        %swap3A_203 = arith.index_cast %add3A_202 : i32 to index
        %swap3A_204 = arith.constant 16 : index
        %swap3A_205 = tpu.vector_load %arg7[%swap3A_203, %swap3A_204] {strides = array<i32>} : memref<64x256xf32, #tpu.memory_space<vmem>>, vector<1x16xf32>,
        %swap3A_206 = vector.shape_cast %swap3A_205 : vector<1x16xf32> to vector<16xf32>
        %swap3A_207 = vector.shape_cast %add3A_200 : vector<16xf32> to vector<1x16xf32>
        tpu.vector_store %arg7[%swap3A_203, %swap3A_204], %swap3A_207 {strides = array<i32>} : memref<64x256xf32, #tpu.memory_space<vmem>>, vector<1x16xf32>,
        %add3A_208 = arith.constant 0 : i32
        %add3A_209 = arith.addi %mul3A_181, %add3A_208 : i32
        %get3A_210 = arith.index_cast %add3A_209 : i32 to index
        %get3A_211 = arith.constant 32 : index
        %get3A_212 = tpu.vector_load %arg5[%get3A_210, %get3A_211] {strides = array<i32>} : memref<64x256xf32, #tpu.memory_space<vmem>>, vector<1x16xf32>,
        %get3A_213 = vector.shape_cast %get3A_212 : vector<1x16xf32> to vector<16xf32>
        %add3A_214 = arith.addf %scan3A_166, %get3A_213 : vector<16xf32>
        %add3A_215 = arith.constant 0 : i32
        %add3A_216 = arith.addi %mul3A_181, %add3A_215 : i32
        %swap3A_217 = arith.index_cast %add3A_216 : i32 to index
        %swap3A_218 = arith.constant 32 : index
        %swap3A_219 = tpu.vector_load %arg7[%swap3A_217, %swap3A_218] {strides = array<i32>} : memref<64x256xf32, #tpu.memory_space<vmem>>, vector<1x16xf32>,
        %swap3A_220 = vector.shape_cast %swap3A_219 : vector<1x16xf32> to vector<16xf32>
        %swap3A_221 = vector.shape_cast %add3A_214 : vector<16xf32> to vector<1x16xf32>
        tpu.vector_store %arg7[%swap3A_217, %swap3A_218], %swap3A_221 {strides = array<i32>} : memref<64x256xf32, #tpu.memory_space<vmem>>, vector<1x16xf32>,
        %add3A_222 = arith.constant 0 : i32
        %add3A_223 = arith.addi %mul3A_181, %add3A_222 : i32
        %get3A_224 = arith.index_cast %add3A_223 : i32 to index
        %get3A_225 = arith.constant 48 : index
        %get3A_226 = tpu.vector_load %arg5[%get3A_224, %get3A_225] {strides = array<i32>} : memref<64x256xf32, #tpu.memory_space<vmem>>, vector<1x16xf32>,
        %get3A_227 = vector.shape_cast %get3A_226 : vector<1x16xf32> to vector<16xf32>
        %add3A_228 = arith.addf %scan3A_167, %get3A_227 : vector<16xf32>
        %add3A_229 = arith.constant 0 : i32
        %add3A_230 = arith.addi %mul3A_181, %add3A_229 : i32
        %swap3A_231 = arith.index_cast %add3A_230 : i32 to index
        %swap3A_232 = arith.constant 48 : index
        %swap3A_233 = tpu.vector_load %arg7[%swap3A_231, %swap3A_232] {strides = array<i32>} : memref<64x256xf32, #tpu.memory_space<vmem>>, vector<1x16xf32>,
        %swap3A_234 = vector.shape_cast %swap3A_233 : vector<1x16xf32> to vector<16xf32>
        %swap3A_235 = vector.shape_cast %add3A_228 : vector<16xf32> to vector<1x16xf32>
        tpu.vector_store %arg7[%swap3A_231, %swap3A_232], %swap3A_235 {strides = array<i32>} : memref<64x256xf32, #tpu.memory_space<vmem>>, vector<1x16xf32>,
        %add3A_236 = arith.constant 0 : i32
        %add3A_237 = arith.addi %mul3A_181, %add3A_236 : i32
        %get3A_238 = arith.index_cast %add3A_237 : i32 to index
        %get3A_239 = arith.constant 64 : index
        %get3A_240 = tpu.vector_load %arg5[%get3A_238, %get3A_239] {strides = array<i32>} : memref<64x256xf32, #tpu.memory_space<vmem>>, vector<1x16xf32>,
        %get3A_241 = vector.shape_cast %get3A_240 : vector<1x16xf32> to vector<16xf32>
        %add3A_242 = arith.addf %scan3A_168, %get3A_241 : vector<16xf32>
        %add3A_243 = arith.constant 0 : i32
        %add3A_244 = arith.addi %mul3A_181, %add3A_243 : i32
        %swap3A_245 = arith.index_cast %add3A_244 : i32 to index
        %swap3A_246 = arith.constant 64 : index
        %swap3A_247 = tpu.vector_load %arg7[%swap3A_245, %swap3A_246] {strides = array<i32>} : memref<64x256xf32, #tpu.memory_space<vmem>>, vector<1x16xf32>,
        %swap3A_248 = vector.shape_cast %swap3A_247 : vector<1x16xf32> to vector<16xf32>
        %swap3A_249 = vector.shape_cast %add3A_242 : vector<16xf32> to vector<1x16xf32>
        tpu.vector_store %arg7[%swap3A_245, %swap3A_246], %swap3A_249 {strides = array<i32>} : memref<64x256xf32, #tpu.memory_space<vmem>>, vector<1x16xf32>,
        %add3A_250 = arith.constant 0 : i32
        %add3A_251 = arith.addi %mul3A_181, %add3A_250 : i32
        %get3A_252 = arith.index_cast %add3A_251 : i32 to index
        %get3A_253 = arith.constant 80 : index
        %get3A_254 = tpu.vector_load %arg5[%get3A_252, %get3A_253] {strides = array<i32>} : memref<64x256xf32, #tpu.memory_space<vmem>>, vector<1x16xf32>,
        %get3A_255 = vector.shape_cast %get3A_254 : vector<1x16xf32> to vector<16xf32>
        %add3A_256 = arith.addf %scan3A_169, %get3A_255 : vector<16xf32>
        %add3A_257 = arith.constant 0 : i32
        %add3A_258 = arith.addi %mul3A_181, %add3A_257 : i32
        %swap3A_259 = arith.index_cast %add3A_258 : i32 to index
        %swap3A_260 = arith.constant 80 : index
        %swap3A_261 = tpu.vector_load %arg7[%swap3A_259, %swap3A_260] {strides = array<i32>} : memref<64x256xf32, #tpu.memory_space<vmem>>, vector<1x16xf32>,
        %swap3A_262 = vector.shape_cast %swap3A_261 : vector<1x16xf32> to vector<16xf32>
        %swap3A_263 = vector.shape_cast %add3A_256 : vector<16xf32> to vector<1x16xf32>
        tpu.vector_store %arg7[%swap3A_259, %swap3A_260], %swap3A_263 {strides = array<i32>} : memref<64x256xf32, #tpu.memory_space<vmem>>, vector<1x16xf32>,
        %add3A_264 = arith.constant 0 : i32
        %add3A_265 = arith.addi %mul3A_181, %add3A_264 : i32
        %get3A_266 = arith.index_cast %add3A_265 : i32 to index
        %get3A_267 = arith.constant 96 : index
        %get3A_268 = tpu.vector_load %arg5[%get3A_266, %get3A_267] {strides = array<i32>} : memref<64x256xf32, #tpu.memory_space<vmem>>, vector<1x16xf32>,
        %get3A_269 = vector.shape_cast %get3A_268 : vector<1x16xf32> to vector<16xf32>
        %add3A_270 = arith.addf %scan3A_170, %get3A_269 : vector<16xf32>
        %add3A_271 = arith.constant 0 : i32
        %add3A_272 = arith.addi %mul3A_181, %add3A_271 : i32
        %swap3A_273 = arith.index_cast %add3A_272 : i32 to index
        %swap3A_274 = arith.constant 96 : index
        %swap3A_275 = tpu.vector_load %arg7[%swap3A_273, %swap3A_274] {strides = array<i32>} : memref<64x256xf32, #tpu.memory_space<vmem>>, vector<1x16xf32>,
        %swap3A_276 = vector.shape_cast %swap3A_275 : vector<1x16xf32> to vector<16xf32>
        %swap3A_277 = vector.shape_cast %add3A_270 : vector<16xf32> to vector<1x16xf32>
        tpu.vector_store %arg7[%swap3A_273, %swap3A_274], %swap3A_277 {strides = array<i32>} : memref<64x256xf32, #tpu.memory_space<vmem>>, vector<1x16xf32>,
        %add3A_278 = arith.constant 0 : i32
        %add3A_279 = arith.addi %mul3A_181, %add3A_278 : i32
        %get3A_280 = arith.index_cast %add3A_279 : i32 to index
        %get3A_281 = arith.constant 112 : index
        %get3A_282 = tpu.vector_load %arg5[%get3A_280, %get3A_281] {strides = array<i32>} : memref<64x256xf32, #tpu.memory_space<vmem>>, vector<1x16xf32>,
        %get3A_283 = vector.shape_cast %get3A_282 : vector<1x16xf32> to vector<16xf32>
        %add3A_284 = arith.addf %scan3A_171, %get3A_283 : vector<16xf32>
        %add3A_285 = arith.constant 0 : i32
        %add3A_286 = arith.addi %mul3A_181, %add3A_285 : i32
        %swap3A_287 = arith.index_cast %add3A_286 : i32 to index
        %swap3A_288 = arith.constant 112 : index
        %swap3A_289 = tpu.vector_load %arg7[%swap3A_287, %swap3A_288] {strides = array<i32>} : memref<64x256xf32, #tpu.memory_space<vmem>>, vector<1x16xf32>,
        %swap3A_290 = vector.shape_cast %swap3A_289 : vector<1x16xf32> to vector<16xf32>
        %swap3A_291 = vector.shape_cast %add3A_284 : vector<16xf32> to vector<1x16xf32>
        tpu.vector_store %arg7[%swap3A_287, %swap3A_288], %swap3A_291 {strides = array<i32>} : memref<64x256xf32, #tpu.memory_space<vmem>>, vector<1x16xf32>,
        %add3A_292 = arith.constant 0 : i32
        %add3A_293 = arith.addi %mul3A_181, %add3A_292 : i32
        %get3A_294 = arith.index_cast %add3A_293 : i32 to index
        %get3A_295 = arith.constant 128 : index
        %get3A_296 = tpu.vector_load %arg5[%get3A_294, %get3A_295] {strides = array<i32>} : memref<64x256xf32, #tpu.memory_space<vmem>>, vector<1x16xf32>,
        %get3A_297 = vector.shape_cast %get3A_296 : vector<1x16xf32> to vector<16xf32>
        %add3A_298 = arith.addf %scan3A_172, %get3A_297 : vector<16xf32>
        %add3A_299 = arith.constant 0 : i32
        %add3A_300 = arith.addi %mul3A_181, %add3A_299 : i32
        %swap3A_301 = arith.index_cast %add3A_300 : i32 to index
        %swap3A_302 = arith.constant 128 : index
        %swap3A_303 = tpu.vector_load %arg7[%swap3A_301, %swap3A_302] {strides = array<i32>} : memref<64x256xf32, #tpu.memory_space<vmem>>, vector<1x16xf32>,
        %swap3A_304 = vector.shape_cast %swap3A_303 : vector<1x16xf32> to vector<16xf32>
        %swap3A_305 = vector.shape_cast %add3A_298 : vector<16xf32> to vector<1x16xf32>
        tpu.vector_store %arg7[%swap3A_301, %swap3A_302], %swap3A_305 {strides = array<i32>} : memref<64x256xf32, #tpu.memory_space<vmem>>, vector<1x16xf32>,
        %add3A_306 = arith.constant 0 : i32
        %add3A_307 = arith.addi %mul3A_181, %add3A_306 : i32
        %get3A_308 = arith.index_cast %add3A_307 : i32 to index
        %get3A_309 = arith.constant 144 : index
        %get3A_310 = tpu.vector_load %arg5[%get3A_308, %get3A_309] {strides = array<i32>} : memref<64x256xf32, #tpu.memory_space<vmem>>, vector<1x16xf32>,
        %get3A_311 = vector.shape_cast %get3A_310 : vector<1x16xf32> to vector<16xf32>
        %add3A_312 = arith.addf %scan3A_173, %get3A_311 : vector<16xf32>
        %add3A_313 = arith.constant 0 : i32
        %add3A_314 = arith.addi %mul3A_181, %add3A_313 : i32
        %swap3A_315 = arith.index_cast %add3A_314 : i32 to index
        %swap3A_316 = arith.constant 144 : index
        %swap3A_317 = tpu.vector_load %arg7[%swap3A_315, %swap3A_316] {strides = array<i32>} : memref<64x256xf32, #tpu.memory_space<vmem>>, vector<1x16xf32>,
        %swap3A_318 = vector.shape_cast %swap3A_317 : vector<1x16xf32> to vector<16xf32>
        %swap3A_319 = vector.shape_cast %add3A_312 : vector<16xf32> to vector<1x16xf32>
        tpu.vector_store %arg7[%swap3A_315, %swap3A_316], %swap3A_319 {strides = array<i32>} : memref<64x256xf32, #tpu.memory_space<vmem>>, vector<1x16xf32>,
        %add3A_320 = arith.constant 0 : i32
        %add3A_321 = arith.addi %mul3A_181, %add3A_320 : i32
        %get3A_322 = arith.index_cast %add3A_321 : i32 to index
        %get3A_323 = arith.constant 160 : index
        %get3A_324 = tpu.vector_load %arg5[%get3A_322, %get3A_323] {strides = array<i32>} : memref<64x256xf32, #tpu.memory_space<vmem>>, vector<1x16xf32>,
        %get3A_325 = vector.shape_cast %get3A_324 : vector<1x16xf32> to vector<16xf32>
        %add3A_326 = arith.addf %scan3A_174, %get3A_325 : vector<16xf32>
        %add3A_327 = arith.constant 0 : i32
        %add3A_328 = arith.addi %mul3A_181, %add3A_327 : i32
        %swap3A_329 = arith.index_cast %add3A_328 : i32 to index
        %swap3A_330 = arith.constant 160 : index
        %swap3A_331 = tpu.vector_load %arg7[%swap3A_329, %swap3A_330] {strides = array<i32>} : memref<64x256xf32, #tpu.memory_space<vmem>>, vector<1x16xf32>,
        %swap3A_332 = vector.shape_cast %swap3A_331 : vector<1x16xf32> to vector<16xf32>
        %swap3A_333 = vector.shape_cast %add3A_326 : vector<16xf32> to vector<1x16xf32>
        tpu.vector_store %arg7[%swap3A_329, %swap3A_330], %swap3A_333 {strides = array<i32>} : memref<64x256xf32, #tpu.memory_space<vmem>>, vector<1x16xf32>,
        %add3A_334 = arith.constant 0 : i32
        %add3A_335 = arith.addi %mul3A_181, %add3A_334 : i32
        %get3A_336 = arith.index_cast %add3A_335 : i32 to index
        %get3A_337 = arith.constant 176 : index
        %get3A_338 = tpu.vector_load %arg5[%get3A_336, %get3A_337] {strides = array<i32>} : memref<64x256xf32, #tpu.memory_space<vmem>>, vector<1x16xf32>,
        %get3A_339 = vector.shape_cast %get3A_338 : vector<1x16xf32> to vector<16xf32>
        %add3A_340 = arith.addf %scan3A_175, %get3A_339 : vector<16xf32>
        %add3A_341 = arith.constant 0 : i32
        %add3A_342 = arith.addi %mul3A_181, %add3A_341 : i32
        %swap3A_343 = arith.index_cast %add3A_342 : i32 to index
        %swap3A_344 = arith.constant 176 : index
        %swap3A_345 = tpu.vector_load %arg7[%swap3A_343, %swap3A_344] {strides = array<i32>} : memref<64x256xf32, #tpu.memory_space<vmem>>, vector<1x16xf32>,
        %swap3A_346 = vector.shape_cast %swap3A_345 : vector<1x16xf32> to vector<16xf32>
        %swap3A_347 = vector.shape_cast %add3A_340 : vector<16xf32> to vector<1x16xf32>
        tpu.vector_store %arg7[%swap3A_343, %swap3A_344], %swap3A_347 {strides = array<i32>} : memref<64x256xf32, #tpu.memory_space<vmem>>, vector<1x16xf32>,
        %add3A_348 = arith.constant 0 : i32
        %add3A_349 = arith.addi %mul3A_181, %add3A_348 : i32
        %get3A_350 = arith.index_cast %add3A_349 : i32 to index
        %get3A_351 = arith.constant 192 : index
        %get3A_352 = tpu.vector_load %arg5[%get3A_350, %get3A_351] {strides = array<i32>} : memref<64x256xf32, #tpu.memory_space<vmem>>, vector<1x16xf32>,
        %get3A_353 = vector.shape_cast %get3A_352 : vector<1x16xf32> to vector<16xf32>
        %add3A_354 = arith.addf %scan3A_176, %get3A_353 : vector<16xf32>
        %add3A_355 = arith.constant 0 : i32
        %add3A_356 = arith.addi %mul3A_181, %add3A_355 : i32
        %swap3A_357 = arith.index_cast %add3A_356 : i32 to index
        %swap3A_358 = arith.constant 192 : index
        %swap3A_359 = tpu.vector_load %arg7[%swap3A_357, %swap3A_358] {strides = array<i32>} : memref<64x256xf32, #tpu.memory_space<vmem>>, vector<1x16xf32>,
        %swap3A_360 = vector.shape_cast %swap3A_359 : vector<1x16xf32> to vector<16xf32>
        %swap3A_361 = vector.shape_cast %add3A_354 : vector<16xf32> to vector<1x16xf32>
        tpu.vector_store %arg7[%swap3A_357, %swap3A_358], %swap3A_361 {strides = array<i32>} : memref<64x256xf32, #tpu.memory_space<vmem>>, vector<1x16xf32>,
        %add3A_362 = arith.constant 0 : i32
        %add3A_363 = arith.addi %mul3A_181, %add3A_362 : i32
        %get3A_364 = arith.index_cast %add3A_363 : i32 to index
        %get3A_365 = arith.constant 208 : index
        %get3A_366 = tpu.vector_load %arg5[%get3A_364, %get3A_365] {strides = array<i32>} : memref<64x256xf32, #tpu.memory_space<vmem>>, vector<1x16xf32>,
        %get3A_367 = vector.shape_cast %get3A_366 : vector<1x16xf32> to vector<16xf32>
        %add3A_368 = arith.addf %scan3A_177, %get3A_367 : vector<16xf32>
        %add3A_369 = arith.constant 0 : i32
        %add3A_370 = arith.addi %mul3A_181, %add3A_369 : i32
        %swap3A_371 = arith.index_cast %add3A_370 : i32 to index
        %swap3A_372 = arith.constant 208 : index
        %swap3A_373 = tpu.vector_load %arg7[%swap3A_371, %swap3A_372] {strides = array<i32>} : memref<64x256xf32, #tpu.memory_space<vmem>>, vector<1x16xf32>,
        %swap3A_374 = vector.shape_cast %swap3A_373 : vector<1x16xf32> to vector<16xf32>
        %swap3A_375 = vector.shape_cast %add3A_368 : vector<16xf32> to vector<1x16xf32>
        tpu.vector_store %arg7[%swap3A_371, %swap3A_372], %swap3A_375 {strides = array<i32>} : memref<64x256xf32, #tpu.memory_space<vmem>>, vector<1x16xf32>,
        %add3A_376 = arith.constant 0 : i32
        %add3A_377 = arith.addi %mul3A_181, %add3A_376 : i32
        %get3A_378 = arith.index_cast %add3A_377 : i32 to index
        %get3A_379 = arith.constant 224 : index
        %get3A_380 = tpu.vector_load %arg5[%get3A_378, %get3A_379] {strides = array<i32>} : memref<64x256xf32, #tpu.memory_space<vmem>>, vector<1x16xf32>,
        %get3A_381 = vector.shape_cast %get3A_380 : vector<1x16xf32> to vector<16xf32>
        %add3A_382 = arith.addf %scan3A_178, %get3A_381 : vector<16xf32>
        %add3A_383 = arith.constant 0 : i32
        %add3A_384 = arith.addi %mul3A_181, %add3A_383 : i32
        %swap3A_385 = arith.index_cast %add3A_384 : i32 to index
        %swap3A_386 = arith.constant 224 : index
        %swap3A_387 = tpu.vector_load %arg7[%swap3A_385, %swap3A_386] {strides = array<i32>} : memref<64x256xf32, #tpu.memory_space<vmem>>, vector<1x16xf32>,
        %swap3A_388 = vector.shape_cast %swap3A_387 : vector<1x16xf32> to vector<16xf32>
        %swap3A_389 = vector.shape_cast %add3A_382 : vector<16xf32> to vector<1x16xf32>
        tpu.vector_store %arg7[%swap3A_385, %swap3A_386], %swap3A_389 {strides = array<i32>} : memref<64x256xf32, #tpu.memory_space<vmem>>, vector<1x16xf32>,
        %add3A_390 = arith.constant 0 : i32
        %add3A_391 = arith.addi %mul3A_181, %add3A_390 : i32
        %get3A_392 = arith.index_cast %add3A_391 : i32 to index
        %get3A_393 = arith.constant 240 : index
        %get3A_394 = tpu.vector_load %arg5[%get3A_392, %get3A_393] {strides = array<i32>} : memref<64x256xf32, #tpu.memory_space<vmem>>, vector<1x16xf32>,
        %get3A_395 = vector.shape_cast %get3A_394 : vector<1x16xf32> to vector<16xf32>
        %add3A_396 = arith.addf %scan3A_179, %get3A_395 : vector<16xf32>
        %add3A_397 = arith.constant 0 : i32
        %add3A_398 = arith.addi %mul3A_181, %add3A_397 : i32
        %swap3A_399 = arith.index_cast %add3A_398 : i32 to index
        %swap3A_400 = arith.constant 240 : index
        %swap3A_401 = tpu.vector_load %arg7[%swap3A_399, %swap3A_400] {strides = array<i32>} : memref<64x256xf32, #tpu.memory_space<vmem>>, vector<1x16xf32>,
        %swap3A_402 = vector.shape_cast %swap3A_401 : vector<1x16xf32> to vector<16xf32>
        %swap3A_403 = vector.shape_cast %add3A_396 : vector<16xf32> to vector<1x16xf32>
        tpu.vector_store %arg7[%swap3A_399, %swap3A_400], %swap3A_403 {strides = array<i32>} : memref<64x256xf32, #tpu.memory_space<vmem>>, vector<1x16xf32>,
        %add3A_404 = arith.constant 1 : i32
        %add3A_405 = arith.addi %mul3A_181, %add3A_404 : i32
        %get3A_406 = arith.index_cast %add3A_405 : i32 to index
        %get3A_407 = arith.constant 0 : index
        %get3A_408 = tpu.vector_load %arg5[%get3A_406, %get3A_407] {strides = array<i32>} : memref<64x256xf32, #tpu.memory_space<vmem>>, vector<1x16xf32>,
        %get3A_409 = vector.shape_cast %get3A_408 : vector<1x16xf32> to vector<16xf32>
        %add3A_410 = arith.addf %add3A_187, %get3A_409 : vector<16xf32>
        %add3A_411 = arith.constant 1 : i32
        %add3A_412 = arith.addi %mul3A_181, %add3A_411 : i32
        %swap3A_413 = arith.index_cast %add3A_412 : i32 to index
        %swap3A_414 = arith.constant 0 : index
        %swap3A_415 = tpu.vector_load %arg7[%swap3A_413, %swap3A_414] {strides = array<i32>} : memref<64x256xf32, #tpu.memory_space<vmem>>, vector<1x16xf32>,
        %swap3A_416 = vector.shape_cast %swap3A_415 : vector<1x16xf32> to vector<16xf32>
        %swap3A_417 = vector.shape_cast %add3A_410 : vector<16xf32> to vector<1x16xf32>
        tpu.vector_store %arg7[%swap3A_413, %swap3A_414], %swap3A_417 {strides = array<i32>} : memref<64x256xf32, #tpu.memory_space<vmem>>, vector<1x16xf32>,
        %add3A_418 = arith.constant 1 : i32
        %add3A_419 = arith.addi %mul3A_181, %add3A_418 : i32
        %get3A_420 = arith.index_cast %add3A_419 : i32 to index
        %get3A_421 = arith.constant 16 : index
        %get3A_422 = tpu.vector_load %arg5[%get3A_420, %get3A_421] {strides = array<i32>} : memref<64x256xf32, #tpu.memory_space<vmem>>, vector<1x16xf32>,
        %get3A_423 = vector.shape_cast %get3A_422 : vector<1x16xf32> to vector<16xf32>
        %add3A_424 = arith.addf %add3A_200, %get3A_423 : vector<16xf32>
        %add3A_425 = arith.constant 1 : i32
        %add3A_426 = arith.addi %mul3A_181, %add3A_425 : i32
        %swap3A_427 = arith.index_cast %add3A_426 : i32 to index
        %swap3A_428 = arith.constant 16 : index
        %swap3A_429 = tpu.vector_load %arg7[%swap3A_427, %swap3A_428] {strides = array<i32>} : memref<64x256xf32, #tpu.memory_space<vmem>>, vector<1x16xf32>,
        %swap3A_430 = vector.shape_cast %swap3A_429 : vector<1x16xf32> to vector<16xf32>
        %swap3A_431 = vector.shape_cast %add3A_424 : vector<16xf32> to vector<1x16xf32>
        tpu.vector_store %arg7[%swap3A_427, %swap3A_428], %swap3A_431 {strides = array<i32>} : memref<64x256xf32, #tpu.memory_space<vmem>>, vector<1x16xf32>,
        %add3A_432 = arith.constant 1 : i32
        %add3A_433 = arith.addi %mul3A_181, %add3A_432 : i32
        %get3A_434 = arith.index_cast %add3A_433 : i32 to index
        %get3A_435 = arith.constant 32 : index
        %get3A_436 = tpu.vector_load %arg5[%get3A_434, %get3A_435] {strides = array<i32>} : memref<64x256xf32, #tpu.memory_space<vmem>>, vector<1x16xf32>,
        %get3A_437 = vector.shape_cast %get3A_436 : vector<1x16xf32> to vector<16xf32>
        %add3A_438 = arith.addf %add3A_214, %get3A_437 : vector<16xf32>
        %add3A_439 = arith.constant 1 : i32
        %add3A_440 = arith.addi %mul3A_181, %add3A_439 : i32
        %swap3A_441 = arith.index_cast %add3A_440 : i32 to index
        %swap3A_442 = arith.constant 32 : index
        %swap3A_443 = tpu.vector_load %arg7[%swap3A_441, %swap3A_442] {strides = array<i32>} : memref<64x256xf32, #tpu.memory_space<vmem>>, vector<1x16xf32>,
        %swap3A_444 = vector.shape_cast %swap3A_443 : vector<1x16xf32> to vector<16xf32>
        %swap3A_445 = vector.shape_cast %add3A_438 : vector<16xf32> to vector<1x16xf32>
        tpu.vector_store %arg7[%swap3A_441, %swap3A_442], %swap3A_445 {strides = array<i32>} : memref<64x256xf32, #tpu.memory_space<vmem>>, vector<1x16xf32>,
        %add3A_446 = arith.constant 1 : i32
        %add3A_447 = arith.addi %mul3A_181, %add3A_446 : i32
        %get3A_448 = arith.index_cast %add3A_447 : i32 to index
        %get3A_449 = arith.constant 48 : index
        %get3A_450 = tpu.vector_load %arg5[%get3A_448, %get3A_449] {strides = array<i32>} : memref<64x256xf32, #tpu.memory_space<vmem>>, vector<1x16xf32>,
        %get3A_451 = vector.shape_cast %get3A_450 : vector<1x16xf32> to vector<16xf32>
        %add3A_452 = arith.addf %add3A_228, %get3A_451 : vector<16xf32>
        %add3A_453 = arith.constant 1 : i32
        %add3A_454 = arith.addi %mul3A_181, %add3A_453 : i32
        %swap3A_455 = arith.index_cast %add3A_454 : i32 to index
        %swap3A_456 = arith.constant 48 : index
        %swap3A_457 = tpu.vector_load %arg7[%swap3A_455, %swap3A_456] {strides = array<i32>} : memref<64x256xf32, #tpu.memory_space<vmem>>, vector<1x16xf32>,
        %swap3A_458 = vector.shape_cast %swap3A_457 : vector<1x16xf32> to vector<16xf32>
        %swap3A_459 = vector.shape_cast %add3A_452 : vector<16xf32> to vector<1x16xf32>
        tpu.vector_store %arg7[%swap3A_455, %swap3A_456], %swap3A_459 {strides = array<i32>} : memref<64x256xf32, #tpu.memory_space<vmem>>, vector<1x16xf32>,
        %add3A_460 = arith.constant 1 : i32
        %add3A_461 = arith.addi %mul3A_181, %add3A_460 : i32
        %get3A_462 = arith.index_cast %add3A_461 : i32 to index
        %get3A_463 = arith.constant 64 : index
        %get3A_464 = tpu.vector_load %arg5[%get3A_462, %get3A_463] {strides = array<i32>} : memref<64x256xf32, #tpu.memory_space<vmem>>, vector<1x16xf32>,
        %get3A_465 = vector.shape_cast %get3A_464 : vector<1x16xf32> to vector<16xf32>
        %add3A_466 = arith.addf %add3A_242, %get3A_465 : vector<16xf32>
        %add3A_467 = arith.constant 1 : i32
        %add3A_468 = arith.addi %mul3A_181, %add3A_467 : i32
        %swap3A_469 = arith.index_cast %add3A_468 : i32 to index
        %swap3A_470 = arith.constant 64 : index
        %swap3A_471 = tpu.vector_load %arg7[%swap3A_469, %swap3A_470] {strides = array<i32>} : memref<64x256xf32, #tpu.memory_space<vmem>>, vector<1x16xf32>,
        %swap3A_472 = vector.shape_cast %swap3A_471 : vector<1x16xf32> to vector<16xf32>
        %swap3A_473 = vector.shape_cast %add3A_466 : vector<16xf32> to vector<1x16xf32>
        tpu.vector_store %arg7[%swap3A_469, %swap3A_470], %swap3A_473 {strides = array<i32>} : memref<64x256xf32, #tpu.memory_space<vmem>>, vector<1x16xf32>,
        %add3A_474 = arith.constant 1 : i32
        %add3A_475 = arith.addi %mul3A_181, %add3A_474 : i32
        %get3A_476 = arith.index_cast %add3A_475 : i32 to index
        %get3A_477 = arith.constant 80 : index
        %get3A_478 = tpu.vector_load %arg5[%get3A_476, %get3A_477] {strides = array<i32>} : memref<64x256xf32, #tpu.memory_space<vmem>>, vector<1x16xf32>,
        %get3A_479 = vector.shape_cast %get3A_478 : vector<1x16xf32> to vector<16xf32>
        %add3A_480 = arith.addf %add3A_256, %get3A_479 : vector<16xf32>
        %add3A_481 = arith.constant 1 : i32
        %add3A_482 = arith.addi %mul3A_181, %add3A_481 : i32
        %swap3A_483 = arith.index_cast %add3A_482 : i32 to index
        %swap3A_484 = arith.constant 80 : index
        %swap3A_485 = tpu.vector_load %arg7[%swap3A_483, %swap3A_484] {strides = array<i32>} : memref<64x256xf32, #tpu.memory_space<vmem>>, vector<1x16xf32>,
        %swap3A_486 = vector.shape_cast %swap3A_485 : vector<1x16xf32> to vector<16xf32>
        %swap3A_487 = vector.shape_cast %add3A_480 : vector<16xf32> to vector<1x16xf32>
        tpu.vector_store %arg7[%swap3A_483, %swap3A_484], %swap3A_487 {strides = array<i32>} : memref<64x256xf32, #tpu.memory_space<vmem>>, vector<1x16xf32>,
        %add3A_488 = arith.constant 1 : i32
        %add3A_489 = arith.addi %mul3A_181, %add3A_488 : i32
        %get3A_490 = arith.index_cast %add3A_489 : i32 to index
        %get3A_491 = arith.constant 96 : index
        %get3A_492 = tpu.vector_load %arg5[%get3A_490, %get3A_491] {strides = array<i32>} : memref<64x256xf32, #tpu.memory_space<vmem>>, vector<1x16xf32>,
        %get3A_493 = vector.shape_cast %get3A_492 : vector<1x16xf32> to vector<16xf32>
        %add3A_494 = arith.addf %add3A_270, %get3A_493 : vector<16xf32>
        %add3A_495 = arith.constant 1 : i32
        %add3A_496 = arith.addi %mul3A_181, %add3A_495 : i32
        %swap3A_497 = arith.index_cast %add3A_496 : i32 to index
        %swap3A_498 = arith.constant 96 : index
        %swap3A_499 = tpu.vector_load %arg7[%swap3A_497, %swap3A_498] {strides = array<i32>} : memref<64x256xf32, #tpu.memory_space<vmem>>, vector<1x16xf32>,
        %swap3A_500 = vector.shape_cast %swap3A_499 : vector<1x16xf32> to vector<16xf32>
        %swap3A_501 = vector.shape_cast %add3A_494 : vector<16xf32> to vector<1x16xf32>
        tpu.vector_store %arg7[%swap3A_497, %swap3A_498], %swap3A_501 {strides = array<i32>} : memref<64x256xf32, #tpu.memory_space<vmem>>, vector<1x16xf32>,
        %add3A_502 = arith.constant 1 : i32
        %add3A_503 = arith.addi %mul3A_181, %add3A_502 : i32
        %get3A_504 = arith.index_cast %add3A_503 : i32 to index
        %get3A_505 = arith.constant 112 : index
        %get3A_506 = tpu.vector_load %arg5[%get3A_504, %get3A_505] {strides = array<i32>} : memref<64x256xf32, #tpu.memory_space<vmem>>, vector<1x16xf32>,
        %get3A_507 = vector.shape_cast %get3A_506 : vector<1x16xf32> to vector<16xf32>
        %add3A_508 = arith.addf %add3A_284, %get3A_507 : vector<16xf32>
        %add3A_509 = arith.constant 1 : i32
        %add3A_510 = arith.addi %mul3A_181, %add3A_509 : i32
        %swap3A_511 = arith.index_cast %add3A_510 : i32 to index
        %swap3A_512 = arith.constant 112 : index
        %swap3A_513 = tpu.vector_load %arg7[%swap3A_511, %swap3A_512] {strides = array<i32>} : memref<64x256xf32, #tpu.memory_space<vmem>>, vector<1x16xf32>,
        %swap3A_514 = vector.shape_cast %swap3A_513 : vector<1x16xf32> to vector<16xf32>
        %swap3A_515 = vector.shape_cast %add3A_508 : vector<16xf32> to vector<1x16xf32>
        tpu.vector_store %arg7[%swap3A_511, %swap3A_512], %swap3A_515 {strides = array<i32>} : memref<64x256xf32, #tpu.memory_space<vmem>>, vector<1x16xf32>,
        %add3A_516 = arith.constant 1 : i32
        %add3A_517 = arith.addi %mul3A_181, %add3A_516 : i32
        %get3A_518 = arith.index_cast %add3A_517 : i32 to index
        %get3A_519 = arith.constant 128 : index
        %get3A_520 = tpu.vector_load %arg5[%get3A_518, %get3A_519] {strides = array<i32>} : memref<64x256xf32, #tpu.memory_space<vmem>>, vector<1x16xf32>,
        %get3A_521 = vector.shape_cast %get3A_520 : vector<1x16xf32> to vector<16xf32>
        %add3A_522 = arith.addf %add3A_298, %get3A_521 : vector<16xf32>
        %add3A_523 = arith.constant 1 : i32
        %add3A_524 = arith.addi %mul3A_181, %add3A_523 : i32
        %swap3A_525 = arith.index_cast %add3A_524 : i32 to index
        %swap3A_526 = arith.constant 128 : index
        %swap3A_527 = tpu.vector_load %arg7[%swap3A_525, %swap3A_526] {strides = array<i32>} : memref<64x256xf32, #tpu.memory_space<vmem>>, vector<1x16xf32>,
        %swap3A_528 = vector.shape_cast %swap3A_527 : vector<1x16xf32> to vector<16xf32>
        %swap3A_529 = vector.shape_cast %add3A_522 : vector<16xf32> to vector<1x16xf32>
        tpu.vector_store %arg7[%swap3A_525, %swap3A_526], %swap3A_529 {strides = array<i32>} : memref<64x256xf32, #tpu.memory_space<vmem>>, vector<1x16xf32>,
        %add3A_530 = arith.constant 1 : i32
        %add3A_531 = arith.addi %mul3A_181, %add3A_530 : i32
        %get3A_532 = arith.index_cast %add3A_531 : i32 to index
        %get3A_533 = arith.constant 144 : index
        %get3A_534 = tpu.vector_load %arg5[%get3A_532, %get3A_533] {strides = array<i32>} : memref<64x256xf32, #tpu.memory_space<vmem>>, vector<1x16xf32>,
        %get3A_535 = vector.shape_cast %get3A_534 : vector<1x16xf32> to vector<16xf32>
        %add3A_536 = arith.addf %add3A_312, %get3A_535 : vector<16xf32>
        %add3A_537 = arith.constant 1 : i32
        %add3A_538 = arith.addi %mul3A_181, %add3A_537 : i32
        %swap3A_539 = arith.index_cast %add3A_538 : i32 to index
        %swap3A_540 = arith.constant 144 : index
        %swap3A_541 = tpu.vector_load %arg7[%swap3A_539, %swap3A_540] {strides = array<i32>} : memref<64x256xf32, #tpu.memory_space<vmem>>, vector<1x16xf32>,
        %swap3A_542 = vector.shape_cast %swap3A_541 : vector<1x16xf32> to vector<16xf32>
        %swap3A_543 = vector.shape_cast %add3A_536 : vector<16xf32> to vector<1x16xf32>
        tpu.vector_store %arg7[%swap3A_539, %swap3A_540], %swap3A_543 {strides = array<i32>} : memref<64x256xf32, #tpu.memory_space<vmem>>, vector<1x16xf32>,
        %add3A_544 = arith.constant 1 : i32
        %add3A_545 = arith.addi %mul3A_181, %add3A_544 : i32
        %get3A_546 = arith.index_cast %add3A_545 : i32 to index
        %get3A_547 = arith.constant 160 : index
        %get3A_548 = tpu.vector_load %arg5[%get3A_546, %get3A_547] {strides = array<i32>} : memref<64x256xf32, #tpu.memory_space<vmem>>, vector<1x16xf32>,
        %get3A_549 = vector.shape_cast %get3A_548 : vector<1x16xf32> to vector<16xf32>
        %add3A_550 = arith.addf %add3A_326, %get3A_549 : vector<16xf32>
        %add3A_551 = arith.constant 1 : i32
        %add3A_552 = arith.addi %mul3A_181, %add3A_551 : i32
        %swap3A_553 = arith.index_cast %add3A_552 : i32 to index
        %swap3A_554 = arith.constant 160 : index
        %swap3A_555 = tpu.vector_load %arg7[%swap3A_553, %swap3A_554] {strides = array<i32>} : memref<64x256xf32, #tpu.memory_space<vmem>>, vector<1x16xf32>,
        %swap3A_556 = vector.shape_cast %swap3A_555 : vector<1x16xf32> to vector<16xf32>
        %swap3A_557 = vector.shape_cast %add3A_550 : vector<16xf32> to vector<1x16xf32>
        tpu.vector_store %arg7[%swap3A_553, %swap3A_554], %swap3A_557 {strides = array<i32>} : memref<64x256xf32, #tpu.memory_space<vmem>>, vector<1x16xf32>,
        %add3A_558 = arith.constant 1 : i32
        %add3A_559 = arith.addi %mul3A_181, %add3A_558 : i32
        %get3A_560 = arith.index_cast %add3A_559 : i32 to index
        %get3A_561 = arith.constant 176 : index
        %get3A_562 = tpu.vector_load %arg5[%get3A_560, %get3A_561] {strides = array<i32>} : memref<64x256xf32, #tpu.memory_space<vmem>>, vector<1x16xf32>,
        %get3A_563 = vector.shape_cast %get3A_562 : vector<1x16xf32> to vector<16xf32>
        %add3A_564 = arith.addf %add3A_340, %get3A_563 : vector<16xf32>
        %add3A_565 = arith.constant 1 : i32
        %add3A_566 = arith.addi %mul3A_181, %add3A_565 : i32
        %swap3A_567 = arith.index_cast %add3A_566 : i32 to index
        %swap3A_568 = arith.constant 176 : index
        %swap3A_569 = tpu.vector_load %arg7[%swap3A_567, %swap3A_568] {strides = array<i32>} : memref<64x256xf32, #tpu.memory_space<vmem>>, vector<1x16xf32>,
        %swap3A_570 = vector.shape_cast %swap3A_569 : vector<1x16xf32> to vector<16xf32>
        %swap3A_571 = vector.shape_cast %add3A_564 : vector<16xf32> to vector<1x16xf32>
        tpu.vector_store %arg7[%swap3A_567, %swap3A_568], %swap3A_571 {strides = array<i32>} : memref<64x256xf32, #tpu.memory_space<vmem>>, vector<1x16xf32>,
        %add3A_572 = arith.constant 1 : i32
        %add3A_573 = arith.addi %mul3A_181, %add3A_572 : i32
        %get3A_574 = arith.index_cast %add3A_573 : i32 to index
        %get3A_575 = arith.constant 192 : index
        %get3A_576 = tpu.vector_load %arg5[%get3A_574, %get3A_575] {strides = array<i32>} : memref<64x256xf32, #tpu.memory_space<vmem>>, vector<1x16xf32>,
        %get3A_577 = vector.shape_cast %get3A_576 : vector<1x16xf32> to vector<16xf32>
        %add3A_578 = arith.addf %add3A_354, %get3A_577 : vector<16xf32>
        %add3A_579 = arith.constant 1 : i32
        %add3A_580 = arith.addi %mul3A_181, %add3A_579 : i32
        %swap3A_581 = arith.index_cast %add3A_580 : i32 to index
        %swap3A_582 = arith.constant 192 : index
        %swap3A_583 = tpu.vector_load %arg7[%swap3A_581, %swap3A_582] {strides = array<i32>} : memref<64x256xf32, #tpu.memory_space<vmem>>, vector<1x16xf32>,
        %swap3A_584 = vector.shape_cast %swap3A_583 : vector<1x16xf32> to vector<16xf32>
        %swap3A_585 = vector.shape_cast %add3A_578 : vector<16xf32> to vector<1x16xf32>
        tpu.vector_store %arg7[%swap3A_581, %swap3A_582], %swap3A_585 {strides = array<i32>} : memref<64x256xf32, #tpu.memory_space<vmem>>, vector<1x16xf32>,
        %add3A_586 = arith.constant 1 : i32
        %add3A_587 = arith.addi %mul3A_181, %add3A_586 : i32
        %get3A_588 = arith.index_cast %add3A_587 : i32 to index
        %get3A_589 = arith.constant 208 : index
        %get3A_590 = tpu.vector_load %arg5[%get3A_588, %get3A_589] {strides = array<i32>} : memref<64x256xf32, #tpu.memory_space<vmem>>, vector<1x16xf32>,
        %get3A_591 = vector.shape_cast %get3A_590 : vector<1x16xf32> to vector<16xf32>
        %add3A_592 = arith.addf %add3A_368, %get3A_591 : vector<16xf32>
        %add3A_593 = arith.constant 1 : i32
        %add3A_594 = arith.addi %mul3A_181, %add3A_593 : i32
        %swap3A_595 = arith.index_cast %add3A_594 : i32 to index
        %swap3A_596 = arith.constant 208 : index
        %swap3A_597 = tpu.vector_load %arg7[%swap3A_595, %swap3A_596] {strides = array<i32>} : memref<64x256xf32, #tpu.memory_space<vmem>>, vector<1x16xf32>,
        %swap3A_598 = vector.shape_cast %swap3A_597 : vector<1x16xf32> to vector<16xf32>
        %swap3A_599 = vector.shape_cast %add3A_592 : vector<16xf32> to vector<1x16xf32>
        tpu.vector_store %arg7[%swap3A_595, %swap3A_596], %swap3A_599 {strides = array<i32>} : memref<64x256xf32, #tpu.memory_space<vmem>>, vector<1x16xf32>,
        %add3A_600 = arith.constant 1 : i32
        %add3A_601 = arith.addi %mul3A_181, %add3A_600 : i32
        %get3A_602 = arith.index_cast %add3A_601 : i32 to index
        %get3A_603 = arith.constant 224 : index
        %get3A_604 = tpu.vector_load %arg5[%get3A_602, %get3A_603] {strides = array<i32>} : memref<64x256xf32, #tpu.memory_space<vmem>>, vector<1x16xf32>,
        %get3A_605 = vector.shape_cast %get3A_604 : vector<1x16xf32> to vector<16xf32>
        %add3A_606 = arith.addf %add3A_382, %get3A_605 : vector<16xf32>
        %add3A_607 = arith.constant 1 : i32
        %add3A_608 = arith.addi %mul3A_181, %add3A_607 : i32
        %swap3A_609 = arith.index_cast %add3A_608 : i32 to index
        %swap3A_610 = arith.constant 224 : index
        %swap3A_611 = tpu.vector_load %arg7[%swap3A_609, %swap3A_610] {strides = array<i32>} : memref<64x256xf32, #tpu.memory_space<vmem>>, vector<1x16xf32>,
        %swap3A_612 = vector.shape_cast %swap3A_611 : vector<1x16xf32> to vector<16xf32>
        %swap3A_613 = vector.shape_cast %add3A_606 : vector<16xf32> to vector<1x16xf32>
        tpu.vector_store %arg7[%swap3A_609, %swap3A_610], %swap3A_613 {strides = array<i32>} : memref<64x256xf32, #tpu.memory_space<vmem>>, vector<1x16xf32>,
        %add3A_614 = arith.constant 1 : i32
        %add3A_615 = arith.addi %mul3A_181, %add3A_614 : i32
        %get3A_616 = arith.index_cast %add3A_615 : i32 to index
        %get3A_617 = arith.constant 240 : index
        %get3A_618 = tpu.vector_load %arg5[%get3A_616, %get3A_617] {strides = array<i32>} : memref<64x256xf32, #tpu.memory_space<vmem>>, vector<1x16xf32>,
        %get3A_619 = vector.shape_cast %get3A_618 : vector<1x16xf32> to vector<16xf32>
        %add3A_620 = arith.addf %add3A_396, %get3A_619 : vector<16xf32>
        %add3A_621 = arith.constant 1 : i32
        %add3A_622 = arith.addi %mul3A_181, %add3A_621 : i32
        %swap3A_623 = arith.index_cast %add3A_622 : i32 to index
        %swap3A_624 = arith.constant 240 : index
        %swap3A_625 = tpu.vector_load %arg7[%swap3A_623, %swap3A_624] {strides = array<i32>} : memref<64x256xf32, #tpu.memory_space<vmem>>, vector<1x16xf32>,
        %swap3A_626 = vector.shape_cast %swap3A_625 : vector<1x16xf32> to vector<16xf32>
        %swap3A_627 = vector.shape_cast %add3A_620 : vector<16xf32> to vector<1x16xf32>
        tpu.vector_store %arg7[%swap3A_623, %swap3A_624], %swap3A_627 {strides = array<i32>} : memref<64x256xf32, #tpu.memory_space<vmem>>, vector<1x16xf32>,
        scf.yield %add3A_410, %add3A_424, %add3A_438, %add3A_452, %add3A_466, %add3A_480, %add3A_494, %add3A_508, %add3A_522, %add3A_536, %add3A_550, %add3A_564, %add3A_578, %add3A_592, %add3A_606, %add3A_620 : vector<16xf32>, vector<16xf32>, vector<16xf32>, vector<16xf32>, vector<16xf32>, vector<16xf32>, vector<16xf32>, vector<16xf32>, vector<16xf32>, vector<16xf32>, vector<16xf32>, vector<16xf32>, vector<16xf32>, vector<16xf32>, vector<16xf32>, vector<16xf32>
      }
      %scan3A_150 = arith.constant 32 : i32
      %mul3A_151 = arith.constant 64 : i32
      %mul3A_152 = arith.muli %add3A_134, %mul3A_151 : i32
      %add3A_153 = arith.addi %mul3A_32, %mul3A_152 : i32
      %dma_start3A_154 = tpu.memref_slice %arg3[%add3A_153, %mul3A_34] : memref<16384x2048xf32, #tpu.memory_space<hbm>> -> memref<64x256xf32, #tpu.memory_space<hbm>>
      %dma_start3A_155 = tpu.memref_slice %arg3[%add3A_153, %mul3A_34] : memref<16384x2048xf32, #tpu.memory_space<hbm>> -> memref<64x256xf32, #tpu.memory_space<hbm>>
      tpu.enqueue_dma source(%arg7 : memref<64x256xf32, #tpu.memory_space<vmem>>) target(%dma_start3A_155 : memref<64x256xf32, #tpu.memory_space<hbm>>) target_semaphore(%arg11 : memref<!tpu.dma_semaphore, #tpu.memory_space<semaphore_mem>>)
      %add3A_156 = arith.constant 2 : i32
      %add3A_157 = arith.addi %add3A_134, %add3A_156 : i32
      %lt3A_158 = arith.constant 64 : i32
      %lt3A_159 = arith.cmpi slt, %add3A_157, %lt3A_158 : i32
      %convert_element_type3A_160 = arith.extui %lt3A_159 : i1 to i32
      %cond3A_161 = arith.constant 0 : i32
      %cond3A_162 = arith.cmpi ne, %convert_element_type3A_160, %cond3A_161 : i32
      scf.if %cond3A_162 {
        %add3A_163 = arith.constant 2 : i32
        %add3A_164 = arith.addi %add3A_134, %add3A_163 : i32
        %mul3A_165 = arith.constant 64 : i32
        %mul3A_166 = arith.muli %add3A_164, %mul3A_165 : i32
        %add3A_167 = arith.addi %mul3A_32, %mul3A_166 : i32
        %dma_start3A_168 = tpu.memref_slice %arg2[%add3A_167, %mul3A_34] : memref<16384x2048xf32, #tpu.memory_space<hbm>> -> memref<64x256xf32, #tpu.memory_space<hbm>>
        %dma_start3A_169 = tpu.memref_slice %arg2[%add3A_167, %mul3A_34] : memref<16384x2048xf32, #tpu.memory_space<hbm>> -> memref<64x256xf32, #tpu.memory_space<hbm>>
        tpu.enqueue_dma source(%dma_start3A_169 : memref<64x256xf32, #tpu.memory_space<hbm>>) target(%arg5 : memref<64x256xf32, #tpu.memory_space<vmem>>) target_semaphore(%arg9 : memref<!tpu.dma_semaphore, #tpu.memory_space<semaphore_mem>>)
      } else {
      }
      scf.yield %scan3A_149#0, %scan3A_149#1, %scan3A_149#2, %scan3A_149#3, %scan3A_149#4, %scan3A_149#5, %scan3A_149#6, %scan3A_149#7, %scan3A_149#8, %scan3A_149#9, %scan3A_149#10, %scan3A_149#11, %scan3A_149#12, %scan3A_149#13, %scan3A_149#14, %scan3A_149#15 : vector<16xf32>, vector<16xf32>, vector<16xf32>, vector<16xf32>, vector<16xf32>, vector<16xf32>, vector<16xf32>, vector<16xf32>, vector<16xf32>, vector<16xf32>, vector<16xf32>, vector<16xf32>, vector<16xf32>, vector<16xf32>, vector<16xf32>, vector<16xf32>
    }
    %scan3A_77 = arith.constant 32 : i32
    %add3A_78 = arith.constant 3968 : i32
    %add3A_79 = arith.addi %mul3A_32, %add3A_78 : i32
    %dma_wait3A = tpu.memref_slice %arg3[%add3A_79, %mul3A_34] : memref<16384x2048xf32, #tpu.memory_space<hbm>> -> memref<64x256xf32, #tpu.memory_space<hbm>>
    %dma_wait3A_80 = tpu.memref_slice %arg3[%add3A_79, %mul3A_34] : memref<16384x2048xf32, #tpu.memory_space<hbm>> -> memref<64x256xf32, #tpu.memory_space<hbm>>
    tpu.wait_dma2 semaphore(%arg10 : memref<!tpu.dma_semaphore, #tpu.memory_space<semaphore_mem>>) src(%arg6 : memref<64x256xf32, #tpu.memory_space<vmem>>) dst(%dma_wait3A_80 : memref<64x256xf32, #tpu.memory_space<hbm>>)
    %add3A_81 = arith.constant 4032 : i32
    %add3A_82 = arith.addi %mul3A_32, %add3A_81 : i32
    %dma_wait3A_83 = tpu.memref_slice %arg3[%add3A_82, %mul3A_34] : memref<16384x2048xf32, #tpu.memory_space<hbm>> -> memref<64x256xf32, #tpu.memory_space<hbm>>
    %dma_wait3A_84 = tpu.memref_slice %arg3[%add3A_82, %mul3A_34] : memref<16384x2048xf32, #tpu.memory_space<hbm>> -> memref<64x256xf32, #tpu.memory_space<hbm>>
    tpu.wait_dma2 semaphore(%arg11 : memref<!tpu.dma_semaphore, #tpu.memory_space<semaphore_mem>>) src(%arg7 : memref<64x256xf32, #tpu.memory_space<vmem>>) dst(%dma_wait3A_84 : memref<64x256xf32, #tpu.memory_space<hbm>>)
    return
  }
}

</mosaic_0001>

<sc_bundles>
// kernel: kernel.3.cloned.1.call-start
scs
__scs_entry_jumppad:
0x0: {  	(pc) =	sbr.rel $0x88, $3  }
0x1: {  	(tag) =	ssettag $0x0;
	lr =	simm.s32 $0x1  }
0x2: {  	[smem:$0x3FA0] =	sst lr;
	_ =	strace $0xD0000000  }
0x3: {  	_ = 	snop  }
0x4: {  	_ = 	snop  }
0x5: {  	_ = 	snop  }
0x6: {  	_ = 	snop  }
0x7: {  	_ = 	snop  }
__scs_overlays_trampoline_lowered:
0x8: {  	[smem:$0x3FAF] =	sst s0  }
0x9: {  	[smem:$0x3FB0] =	sst s1  }
0xa: {  	[smem:$0x3FB1] =	sst s2  }
0xb: {  	[smem:$0x3FB2] =	sst s3  }
0xc: {  	[smem:$0x3FB3] =	sst s4  }
0xd: {  	[smem:$0x3FB4] =	sst s5  }
0xe: {  	[smem:$0x3FB5] =	sst s6  }
0xf: {  	[smem:$0x3FB6] =	sst s7  }
0x10: {  	[smem:$0x3FB7] =	sst s8  }
0x11: {  	[smem:$0x3FB8] =	sst s9;
	s0 =	simm.s32 @!p0 $0x0  }
0x12: {  	s1 =	sld [smem:$0x3F9E];
	s0 =	simm.s32 @p0 $0x1  }
0x13: {  	[smem:$0x3FB9] =	sst s0;
	s0 =	simm.s32 @!p1 $0x0  }
0x14: {  	s2 =	sld [smem:$0x3F9D];
	s0 =	simm.s32 @p1 $0x1  }
0x15: {  	[smem:$0x3FBA] =	sst s0;
	s0 =	simm.s32 @!p2 $0x0  }
0x16: {  	s3 =	sld [smem:$0x3FDB];
	s0 =	simm.s32 @p2 $0x1  }
0x17: {  	s4 =	simm.s32 $0x1BF5;
	[smem:$0x3FBC] =	sst s0  }
0x18: {  	s0 =	sld [smem:$0x3F9F];
	_ =	swait.ge [sflag:s4], $0x0  }
0x19: {  	s7 =	sld [smem:$0x3FA0]  }
0x1a: {  	s8 =	sadd.s32 $0xFFFFE003, lr  }
0x1b: {  	s9 =	sadd.s32 $0xFFFFFEF7, lr;
	s5 =	simm.s32 $0xFFFFFFFF;
	p2 =	slt.u32 s8, $0xFFFFF086  }
0x1c: {  	p1 =	slt.u32 s9, $0xF7A;
	s5 =	simm.s32 @!p2 $0x0  }
0x1d: {  	s5 =	simm.s32 @p1 $0x1;
	p0 =	seq.s32 s7, s2  }
0x1e: {  	s7 =	smul.u32 @!p0 $0xF7A, s2;
	p2 =	seq.s32 @!p0 s5, $0x0  }
0x1f: {  	s9 =	smul.u32 $0xF7A, s1;
	s8 =	simm.s32 @!p0 $0x1BF5;
	p2 =	por !p2, p0  }
0x20: {  	[sflag:s8] =	ssyncset.s32 @!p0 $0xFFFFF086;
	s6 =	sadd.s32 @!p0 s3, s7;
	s7 =	simm.s32 @!p0 $0x108  }
0x21: {  	s3 =	sadd.s32 s3, s9;
	s6 =	sadd.s32 @!p0 $0x88, s6;
	s7 =	simm.s32 @p2 $0x1082  }
0x22: {  	[simem:s7], [sflag:s8] =	dma.local @!p0 [hbm:s6], $0xF7A  }
0x23: {  	s9 =	sor.u32 $0xD0000000, s2;
	s6 =	simm.s32 $0x108;
	_ =	swait.ge @!p0 [sflag:s8], $0x0  }
0x24: {  	s3 =	sadd.s32 $0x88, s3;
	s6 =	simm.s32 @!p1 $0x1082;
	[sflag:s4] =	ssyncset.s32 $0xFFFFF086  }
0x25: {  	[simem:s6], [sflag:s4] =	dma.local [hbm:s3], $0xF7A  }
0x26: {  	[smem:$0x3FA0] =	sst s1;
	(tag) =	ssettag s2;
	_ =	strace s9  }
0x27: {  	s1 =	sld [smem:$0x3FB0]  }
0x28: {  	s2 =	sld [smem:$0x3FB1]  }
0x29: {  	s4 =	sld [smem:$0x3FB3]  }
0x2a: {  	p0 =	seq.s32 s5, $0x0;
	s5 =	sld [smem:$0x3FB4]  }
0x2b: {  	s6 =	sld [smem:$0x3FB5]  }
0x2c: {  	s7 =	sld [smem:$0x3FB6]  }
0x2d: {  	s3 =	simm.s32 $0x108;
	s8 =	sld [smem:$0x3FB7]  }
0x2e: {  	s3 =	simm.s32 @!p0 $0x1082;
	s9 =	sld [smem:$0x3FB8]  }
0x2f: {  	lr =	sadd.s32 s0, s3;
	s0 =	sld [smem:$0x3FAF]  }
0x30: {  	s3 =	sld [smem:$0x3FB2]  }
0x31: {  	[smem:$0x3FBB] =	sst s10  }
0x32: {  	s10 =	sld [smem:$0x3FB9];
	_ =	sdelay $0x3  }
0x33: {  	p0 =	seq.s32 s10, $0x1;
	s10 =	sld [smem:$0x3FBB];
	_ =	sdelay $0x3  }
0x34: {  	[smem:$0x3FBB] =	sst s10  }
0x35: {  	s10 =	sld [smem:$0x3FBA];
	_ =	sdelay $0x3  }
0x36: {  	p1 =	seq.s32 s10, $0x1;
	s10 =	sld [smem:$0x3FBB];
	_ =	sdelay $0x3  }
0x37: {  	[smem:$0x3FBB] =	sst s10  }
0x38: {  	s10 =	sld [smem:$0x3FBC]  }
0x39: {  	_ = 	snop;
	(pc) =	sbr.ind lr, $3  }
0x3a: {  	_ = 	snop  }
0x3b: {  	_ = 	snop  }
0x3c: {  	p2 =	seq.s32 s10, $0x1;
	s10 =	sld [smem:$0x3FBB]  }
0x3d: {  	_ =	shalt  }
0x3e: {  	_ =	shalt  }
0x3f: {  	_ =	shalt  }
0x40: {  	_ =	shalt  }
0x41: {  	_ =	shalt  }
0x42: {  	_ =	shalt  }
0x43: {  	_ =	shalt  }
0x44: {  	_ =	shalt  }
0x45: {  	_ =	shalt  }
0x46: {  	_ =	shalt  }
0x47: {  	_ =	shalt  }
0x48: {  	_ =	shalt  }
0x49: {  	_ =	shalt  }
0x4a: {  	_ =	shalt  }
0x4b: {  	_ =	shalt  }
0x4c: {  	_ =	shalt  }
0x4d: {  	_ =	shalt  }
0x4e: {  	_ =	shalt  }
0x4f: {  	_ =	shalt  }
0x50: {  	_ =	shalt  }
0x51: {  	_ =	shalt  }
0x52: {  	_ =	shalt  }
0x53: {  	_ =	shalt  }
0x54: {  	_ =	shalt  }
0x55: {  	_ =	shalt  }
0x56: {  	_ =	shalt  }
0x57: {  	_ =	shalt  }
0x58: {  	_ =	shalt  }
0x59: {  	_ =	shalt  }
0x5a: {  	_ =	shalt  }
0x5b: {  	_ =	shalt  }
0x5c: {  	_ =	shalt  }
0x5d: {  	_ =	shalt  }
0x5e: {  	_ =	shalt  }
0x5f: {  	_ =	shalt  }
0x60: {  	_ =	shalt  }
0x61: {  	_ =	shalt  }
0x62: {  	_ =	shalt  }
0x63: {  	_ =	shalt  }
0x64: {  	_ =	shalt  }
0x65: {  	_ =	shalt  }
0x66: {  	_ =	shalt  }
0x67: {  	_ =	shalt  }
0x68: {  	_ =	shalt  }
0x69: {  	_ =	shalt  }
0x6a: {  	_ =	shalt  }
0x6b: {  	_ =	shalt  }
0x6c: {  	_ =	shalt  }
0x6d: {  	_ =	shalt  }
0x6e: {  	_ =	shalt  }
0x6f: {  	_ =	shalt  }
0x70: {  	_ =	shalt  }
0x71: {  	_ =	shalt  }
0x72: {  	_ =	shalt  }
0x73: {  	_ =	shalt  }
0x74: {  	_ =	shalt  }
0x75: {  	_ =	shalt  }
0x76: {  	_ =	shalt  }
0x77: {  	_ =	shalt  }
0x78: {  	_ =	shalt  }
0x79: {  	_ =	shalt  }
0x7a: {  	_ =	shalt  }
0x7b: {  	_ =	shalt  }
0x7c: {  	_ =	shalt  }
0x7d: {  	_ =	shalt  }
0x7e: {  	_ =	shalt  }
0x7f: {  	_ =	shalt  }
0x80: {  	_ =	shalt  }
0x81: {  	_ =	shalt  }
0x82: {  	_ =	shalt  }
0x83: {  	_ =	shalt  }
0x84: {  	_ =	shalt  }
0x85: {  	_ =	shalt  }
0x86: {  	_ =	shalt  }
0x87: {  	_ =	shalt  }
.Lfunc_end0:
.L_simem_size_0:
called_computation_lowered:
.L_overlay_start_0:
0x88: {  	s2 =	sld [smem:$0x3FD9]  }
0x89: {  	s3 =	sld [smem:$0x3FFE];
	_ =	sdelay $0x1  }
0x8a: {  	s1 =	srdreg.scid  }
0x8b: {  	s0 =	sand.u32 $0x1, s1  }
0x8c: {  	s18 =	sshll.u32 s0, $0xA;
	s2 =	sadd.s32 s3, s2  }
0x8d: {  	s2 =	sadd.s32 s2, s18  }
0x8e: {  	[smem:$0x3FC7] =	sst s2  }
0x8f: {  	_ = 	snop  }
0x90: {  	s2 =	sld [smem:$0x3FC9]  }
0x91: {  	s19 =	sld [smem:$0x3FD0];
	(tm) =	ssettm $0x1  }
0x92: {  	s4 =	sld [smem:$0x3FFB];
	_ =	sdelay $0x3  }
0x93: {  	_ =	strace s4  }
0x94: {  	s4 =	sld [smem:$0x3FFC];
	_ =	sdelay $0x3  }
0x95: {  	_ =	strace s4  }
0x96: {  	s4 =	sld [smem:$0x3FFD];
	_ =	sdelay $0x3  }
0x97: {  	_ =	strace s4  }
0x98: {  	_ =	strace $0x8FFFFFFF  }
0x99: {  	s20 =	sld [smem:$0x3FDB];
	_ =	sdelay $0x1  }
0x9a: {  	s5 =	simm.s32 $_scs_section_size  }
0x9b: {  	s6 =	simm.s32 $_size__tile_overlayer_lowered;
	s7 =	simm.s32 $_tile_overlayer_lowered  }
0x9c: {  	s23 =	simm.s32 $0x1BFF;
	s22 =	sshll.u32 s7, $0x1;
	s4 =	sadd.s32 s5, s20  }
0x9d: {  	s8 =	simm.s32 $0x0;
	s21 =	sshll.u32 s6, $0x1;
	s6 =	sadd.s32 s22, s4  }
0x9e: {  	[timem:s8], [sflag:s23] =	dma.local [hbm:s6], s21  }
0x9f: {  	_ =	swait.ge [sflag:s23], s21  }
0xa0: {  	s5 =	ssub.s32 $0x0, s21;
	[sflag:s23] =	ssyncset.done $0x0  }
0xa1: {  	[sflag:s23] =	ssyncadd.s32 s5;
	_ =	sdelay $0x1  }
0xa2: {  	s24 =	simm.s32 $0x1B8B  }
0xa3: {  	_ =	swait.ge [sflag:s24], $0x1  }
0xa4: {  	[sflag:s24] =	ssyncset.done $0x0  }
0xa5: {  	s25 =	simm.s32 $0x1B8E;
	[sflag:s24] =	ssyncadd.s32 $0xFFFFFFFF  }
0xa6: {  	s26 =	simm.s32 $execute0_lowered;
	[smem:$0x3FD2] =	sst s25  }
0xa7: {  	s5 =	sshll.u32 s26, $0x1;
	_ =	strace $0x80000046;
	[dreg:$0x1] =	wrdreg $0xFFFFFFFF  }
0xa8: {  	s28 =	simm.s32 $_size_execute0_lowered;
	s4 =	sadd.s32 s4, s5;
	[dreg:$0x0] =	wrdreg $0x0  }
0xa9: {  	s5 =	sshll.u32 s28, $0x1;
	[dreg:$0x2] =	wrdreg s4  }
0xaa: {  	[dreg:$0x3] =	wrdreg s5  }
0xab: {  	[dreg:$0x4] =	wrdreg $0xC0  }
0xac: {  	_ =	task [dreg:s8], $0x5FFFF  }
0xad: {  	[dreg:$0x1] =	wrdreg $0xFFFFFFFF  }
0xae: {  	[dreg:$0x0] =	wrdreg $0x60  }
0xaf: {  	[dreg:$0x2] =	wrdreg s2  }
0xb0: {  	[dreg:$0x3] =	wrdreg s19  }
0xb1: {  	[dreg:$0x4] =	wrdreg $0x9  }
0xb2: {  	_ =	task.clear_ibuf [dreg:s8], $0x5FFFF;
	_ =	strace $0x90000046  }
0xb3: {  	s29 =	simm.s32 $0x9;
	_ =	strace $0x80000048  }
0xb4: {  	_ =	swait.ge [sflag:s29], $0x1  }
0xb5: {  	[sflag:s29] =	ssyncadd.s32 $0xFFFFFFFF  }
0xb6: {  	_ =	strace $0x90000048  }
0xb7: {  	_ =	sfence  }
0xb8: {  	s30 =	sld [smem:$0x0];
	_ =	sdelay $0x2  }
0xb9: {  	s31 =	sshll.u32 s1, $0xD;
	s1 =	sshrl.u32 s1, $0x2  }
0xba: {  	s3 =	sand.u32 $0x4000, s31;
	s1 =	sadd.s32 s1, s30  }
0xbb: {  	s0 =	sor.u32 s3, s0;
	s1 =	sshll.u32 s1, $0x11  }
0xbc: {  	s0 =	sor.u32 s1, s0  }
0xbd: {  	s0 =	sadd.s32 $0x8F2B, s0  }
0xbe: {  	[sflag:s0] =	ssyncadd.remote.s32 $0x1  }
0xbf: {  	_ =	sfence.sel $0xFFFF  }
0xc0: {  	[dreg:$0x0] =	wrdreg $0xFFFFFFFF;
	(pc) =	sbr.abs _section_cstart, $3  }
0xc1: {  	[dreg:$0x1] =	wrdreg $0xFFFFFFFF  }
0xc2: {  	_ =	task.clear_ibuf [dreg:s8], $0x2FFFF;
	_ =	strace $0x9FFFFFFF  }
0xc3: {  	(tm) =	ssettm $0x7FFFFFFF  }
tec
execute0_lowered:
.L_overlay_start_1:
0x0: {  	(tag) =	ssettag $0x1  }
0x1: {  	s0 =	stileid.u32;
	s1 =	srdreg.scid  }
0x2: {  	s3 =	rddreg [dreg:$0x1];
	s11 =	simm.s32 $0x800;
	s12 =	simm.s32 $0x4000  }
0x3: {  	s13 =	simm.s32 $0x1;
	s14 =	simm.s32 $0x8000;
	s15 =	simm.s32 $0x2  }
0x4: {  	s16 =	simm.s32 $0x4;
	s17 =	simm.s32 $0xC000;
	s18 =	simm.s32 $0x3  }
0x5: {  	s19 =	simm.s32 $0x0;
	s2 =	sshll.u32 s0, $0x1;
	s6 =	sand.u32 $0x1, s1  }
0x6: {  	s4 =	sshll.u32 s0, $0x15;
	s30 =	sand.u32 $0x6, s2;
	s2 =	rddreg [dreg:$0x0]  }
0x7: {  	s4 =	sand.u32 $0x1800000, s4;
	s7 =	ssub.s32 $0x2, s6;
	s1 =	sor.u32 s6, s30  }
.Ltmp0:
0x8: {  	s8 =	sshrl.u32 s7, $0x1;
	s5 =	sshll.u32 s1, $0xB;
	(pc) =	sbr.rel .LBB2_1-.Ltmp0, $4  }
0x9: {  	s1 =	rddreg [dreg:$0x2];
	s10 =	ssub.s32 s7, s8;
	s4 =	sor.u32 s4, s5  }
0xa: {  	s5 =	simm.s32 $0x0;
	s10 =	smax.u32 s10, $0x1;
	s31 =	sshrl.u32 s4, $0x3  }
0xb: {  	[smem:$0x7FF] =	sst s5;
	s8 =	sor.u32 $0x40000, s4;
	s6 =	sadd.s32 s2, s31  }
0xc: {  	s9 =	sor.u32 $0x60000, s4;
	_ =	strace $0x80000047;
	s7 =	sadd.s32 $0x4000, s6  }
.LBB2_12:
0xd: {  	s19 =	sadd.s32 $0x1, s19  }
0xe: {  	_ =	swait.ge [sflag:s18], $0x4000;
	p0 =	sne.s32 s19, s10  }
.Ltmp1:
0xf: {  	[sflag:s18] =	ssyncset.done $0x0;
	(pc) =	sbr.rel @!p0 .LBB2_13-.Ltmp1, $4  }
0x10: {  	[sflag:s18] =	ssyncadd.s32 $0xFFFFC000  }
0x11: {  	_ =	swait.ge [sflag:s16], $0x4000  }
0x12: {  	[sflag:s16] =	ssyncset.done $0x0  }
0x13: {  	[sflag:s16] =	ssyncadd.s32 $0xFFFFC000  }
.LBB2_1:
0x14: {  	v1 =	vimm.f32 $0.0e+00  }
0x15: {  	v0 =	vimm.f32 $0.0e+00;
	v4 =	vimm.f32 $0.0e+00;
	v10 =	vimm.f32 $0.0e+00  }
0x16: {  	v3 =	vimm.f32 $0.0e+00;
	v14 =	vimm.f32 $0.0e+00;
	v9 =	vimm.f32 $0.0e+00  }
0x17: {  	[tilespmem:s5], [sflag:$0x1] =	stream.strided.gather [hbm4b:s6+s11], $0x4000, s12, s11, $0x38;
	v5 =	vimm.f32 $0.0e+00;
	v16 =	vimm.f32 $0.0e+00;
	v8 =	vimm.f32 $0.0e+00;
	[tilespmem:$0x10000] =	vst v63  }
0x18: {  	v2 =	vimm.f32 $0.0e+00;
	v6 =	vimm.f32 $0.0e+00;
	v7 =	vimm.f32 $0.0e+00;
	s20 =	simm.s32 $0x0  }
0x19: {  	v11 =	vimm.f32 $0.0e+00;
	v13 =	vimm.f32 $0.0e+00;
	v12 =	vimm.f32 $0.0e+00;
	[tilespmem:s12], [sflag:$0x2] =	stream.strided.gather [hbm4b:s7+s11], $0x4000, s12, s11, $0x38;
	[tilespmem:$0x10000] =	vst v63  }
.LBB2_2:
0x1a: {  	_ =	swait.ge [sflag:s13], $0x4000  }
0x1b: {  	p0 =	seq.s32 s20, $0x0;
	[sflag:s13] =	ssyncset.done $0x0  }
0x1c: {  	s21 =	simm.s32 @!p0 $0x3;
	[sflag:s13] =	ssyncadd.s32 $0xFFFFC000  }
0x1d: {  	s22 =	simm.s32 $0x0;
	_ =	swait.ge @!p0 [sflag:s21], $0x4000  }
0x1e: {  	s23 =	sand.u32 $0x3800, s22;
	s22 =	sand.u32 $0x300, s22;
	[sflag:s21] =	ssyncset.done @!p0 $0x0  }
0x1f: {  	s23 =	sor.u32 s22, s23;
	[sflag:s21] =	ssyncadd.s32 @!p0 $0xFFFFC000  }
0x20: {  	v21 =	vld [tilespmem:s23+$0x4E0]  }
0x21: {  	v17 =	vld [tilespmem:s23+$0x460]  }
0x22: {  	v15 =	vld [tilespmem:s23+$0x450]  }
0x23: {  	v19 =	vld [tilespmem:s23+$0x4B0]  }
0x24: {  	v20 =	vld [tilespmem:s23+$0x440]  }
0x25: {  	v18 =	vld [tilespmem:s23+$0x430]  }
0x26: {  	v24 =	vld [tilespmem:s23+$0x90]  }
0x27: {  	v22 =	vld [tilespmem:s23+$0x10]  }
0x28: {  	v23 =	vld [tilespmem:s23+$0x0]  }
0x29: {  	v25 =	vld [tilespmem:s23+$0x420]  }
0x2a: {  	v26 =	vld [tilespmem:s23+$0x410]  }
0x2b: {  	v27 =	vld [tilespmem:s23+$0x20]  }
0x2c: {  	v28 =	vld [tilespmem:s23+$0x400]  }
0x2d: {  	v29 =	vld [tilespmem:s23+$0x70]  }
0x2e: {  	v30 =	vld [tilespmem:s23+$0x4D0]  }
0x2f: {  	v32 =	vld [tilespmem:s23+$0x60]  }
0x30: {  	v31 =	vld [tilespmem:s23+$0xE0];
	v12 =	vadd.f32 v23, v12  }
0x31: {  	v62 =	vld [tilespmem:s23+$0x4A0];
	v14 =	vadd.f32 v25, v14  }
0x32: {  	v23 =	vld [tilespmem:s23+$0x480];
	v13 =	vadd.f32 v22, v13;
	[tilespmem:s23+$0x8000] =	vst v12  }
0x33: {  	v33 =	vld [tilespmem:s23+$0x40];
	v5 =	vadd.f32 v28, v5;
	v3 =	vadd.f32 v18, v3;
	[tilespmem:s23+$0x8420] =	vst v14  }
0x34: {  	v25 =	vld [tilespmem:s23+$0x490];
	v9 =	vadd.f32 v26, v9;
	v8 =	vadd.f32 v32, v8;
	[tilespmem:s23+$0x8010] =	vst v13  }
0x35: {  	v22 =	vld [tilespmem:s23+$0x80];
	v11 =	vadd.f32 v27, v11;
	[tilespmem:s23+$0x8430] =	vst v3;
	v3 =	vadd.f32 v19, v3  }
0x36: {  	v26 =	vld [tilespmem:s23+$0xA0];
	[tilespmem:s23+$0x8400] =	vst v5;
	v13 =	vadd.f32 v24, v13;
	v14 =	vadd.f32 v62, v14  }
0x37: {  	v34 =	vld [tilespmem:s23+$0x4C0];
	[tilespmem:s23+$0x8410] =	vst v9;
	v24 =	vadd.f32 v29, v16;
	v5 =	vadd.f32 v23, v5  }
0x38: {  	v63 =	vld [tilespmem:s23+$0xC0];
	[tilespmem:s23+$0x8060] =	vst v8;
	v23 =	vadd.f32 v15, v4;
	v15 =	vadd.f32 v20, v10  }
0x39: {  	v18 =	vld [tilespmem:s23+$0xF0];
	[tilespmem:s23+$0x8020] =	vst v11;
	v9 =	vadd.f32 v25, v9;
	v20 =	vadd.f32 v17, v0  }
0x3a: {  	v19 =	vld [tilespmem:s23+$0x470];
	v4 =	vadd.f32 v31, v8;
	v12 =	vadd.f32 v22, v12;
	[tilespmem:s23+$0x8480] =	vst v5  }
0x3b: {  	v17 =	vld [tilespmem:s23+$0x4F0];
	v11 =	vadd.f32 v26, v11;
	v22 =	vadd.f32 v33, v6;
	[tilespmem:s23+$0x8450] =	vst v23  }
0x3c: {  	v8 =	vadd.f32 v30, v23;
	v0 =	vadd.f32 v21, v20;
	v23 =	vld [tilespmem:s23+$0x30];
	[tilespmem:s23+$0x8080] =	vst v12  }
0x3d: {  	s26 =	simm.s32 $0x100;
	s22 =	simm.s32 $0x200;
	s21 =	sshll.u32 s20, $0x12;
	v10 =	vadd.f32 v34, v15;
	v21 =	vld [tilespmem:s23+$0xB0];
	v6 =	vadd.f32 v63, v22;
	[tilespmem:s23+$0x8490] =	vst v9  }
.LBB2_3:
0x3e: {  	s24 =	smov.u32 s26  }
0x3f: {  	s25 =	sand.u32 $0x3800, s22;
	s28 =	sand.u32 $0x300, s26;
	v16 =	vld [tilespmem:s23+$0x50];
	[tilespmem:s23+$0x84A0] =	vst v14;
	s24 =	sadd.s32 $0x100, s26  }
0x40: {  	p1 =	sne.s32 s26, $0x1F00;
	s25 =	sor.u32 s28, s25;
	v25 =	vadd.f32 v18, v24;
	[tilespmem:s23+$0x8460] =	vst v20;
	v20 =	vld [tilespmem:s23+$0xD0]  }
0x41: {  	v26 =	vld [tilespmem:s25+$0x4E0];
	[tilespmem:s23+$0x80E0] =	vst v4  }
0x42: {  	v23 =	vadd.f32 v23, v7;
	v7 =	vadd.f32 v19, v1;
	v18 =	vld [tilespmem:s25+$0x460];
	[tilespmem:s23+$0x8070] =	vst v24  }
0x43: {  	v19 =	vld [tilespmem:s25+$0x450];
	[tilespmem:s23+$0x8040] =	vst v22  }
0x44: {  	v2 =	vadd.f32 v16, v2;
	v1 =	vadd.f32 v17, v7;
	v22 =	vld [tilespmem:s25+$0x4B0];
	[tilespmem:s23+$0x80F0] =	vst v25  }
0x45: {  	v16 =	vld [tilespmem:s25+$0x440];
	[tilespmem:s23+$0x8470] =	vst v7;
	v7 =	vadd.f32 v21, v23  }
0x46: {  	v17 =	vld [tilespmem:s25+$0x430];
	[tilespmem:s23+$0x8050] =	vst v2;
	v2 =	vadd.f32 v20, v2  }
0x47: {  	v21 =	vld [tilespmem:s25+$0x90];
	[tilespmem:s23+$0x84D0] =	vst v8  }
0x48: {  	v20 =	vld [tilespmem:s25+$0x10];
	[tilespmem:s23+$0x8030] =	vst v23  }
0x49: {  	v23 =	vld [tilespmem:s25+$0x0];
	[tilespmem:s23+$0x80D0] =	vst v2  }
0x4a: {  	v24 =	vld [tilespmem:s25+$0x420];
	[tilespmem:s23+$0x80C0] =	vst v6  }
0x4b: {  	v27 =	vld [tilespmem:s25+$0x410];
	[tilespmem:s23+$0x8440] =	vst v15  }
0x4c: {  	v15 =	vld [tilespmem:s25+$0x20];
	[tilespmem:s23+$0x80B0] =	vst v7  }
0x4d: {  	v28 =	vld [tilespmem:s25+$0x400];
	[tilespmem:s23+$0x84E0] =	vst v0  }
0x4e: {  	v29 =	vld [tilespmem:s25+$0x70];
	[tilespmem:s23+$0x80A0] =	vst v11  }
0x4f: {  	v30 =	vld [tilespmem:s25+$0x4D0];
	[tilespmem:s23+$0x84B0] =	vst v3  }
0x50: {  	v14 =	vadd.f32 v24, v14;
	v24 =	vld [tilespmem:s25+$0xE0];
	[tilespmem:s23+$0x84F0] =	vst v1  }
0x51: {  	v12 =	vadd.f32 v23, v12;
	v23 =	vld [tilespmem:s25+$0x480];
	[tilespmem:s23+$0x8090] =	vst v13  }
0x52: {  	v13 =	vadd.f32 v20, v13;
	v31 =	vadd.f32 v15, v11;
	v11 =	vld [tilespmem:s25+$0x60];
	[tilespmem:s23+$0x84C0] =	vst v10;
	s23 =	smov.u32 s25  }
0x53: {  	v5 =	vadd.f32 v28, v5;
	[tilespmem:s23+$0x8000] =	vst v12;
	v20 =	vld [tilespmem:s23+$0x490]  }
0x54: {  	v9 =	vadd.f32 v27, v9;
	[tilespmem:s23+$0x8420] =	vst v14;
	v27 =	vld [tilespmem:s23+$0x80]  }
0x55: {  	v17 =	vadd.f32 v17, v3;
	[tilespmem:s23+$0x8010] =	vst v13;
	v28 =	vld [tilespmem:s23+$0x4A0]  }
0x56: {  	v15 =	vadd.f32 v16, v10;
	[tilespmem:s23+$0x8400] =	vst v5;
	v10 =	vld [tilespmem:s23+$0xA0];
	v5 =	vadd.f32 v23, v5  }
0x57: {  	v3 =	vadd.f32 v22, v17;
	v16 =	vld [tilespmem:s23+$0x40];
	v11 =	vadd.f32 v11, v4;
	[tilespmem:s23+$0x8410] =	vst v9  }
0x58: {  	v19 =	vadd.f32 v19, v8;
	[tilespmem:s23+$0x8480] =	vst v5;
	v9 =	vadd.f32 v20, v9;
	v32 =	vld [tilespmem:s23+$0x4C0]  }
0x59: {  	v20 =	vadd.f32 v18, v0;
	[tilespmem:s23+$0x8430] =	vst v17;
	v33 =	vld [tilespmem:s23+$0xC0];
	v4 =	vadd.f32 v24, v11  }
.Ltmp2:
0x5a: {  	v8 =	vadd.f32 v30, v19;
	v12 =	vadd.f32 v27, v12;
	[tilespmem:s23+$0x8060] =	vst v11;
	v18 =	vld [tilespmem:s23+$0xF0];
	(pc) =	sbr.rel @p1 .LBB2_3-.Ltmp2, $4  }
0x5b: {  	v0 =	vadd.f32 v26, v20;
	[tilespmem:s23+$0x8450] =	vst v19;
	v19 =	vld [tilespmem:s23+$0x470];
	v11 =	vadd.f32 v10, v31  }
0x5c: {  	v13 =	vadd.f32 v21, v13;
	[tilespmem:s23+$0x8020] =	vst v31;
	v22 =	vadd.f32 v16, v6;
	v17 =	vld [tilespmem:s23+$0x4F0]  }
0x5d: {  	v14 =	vadd.f32 v28, v14;
	v23 =	vld [tilespmem:s23+$0x30];
	[tilespmem:s23+$0x8080] =	vst v12;
	v10 =	vadd.f32 v32, v15  }
0x5e: {  	s22 =	sadd.s32 $0x200, s22;
	s26 =	smov.u32 s24;
	v24 =	vadd.f32 v29, v25;
	v21 =	vld [tilespmem:s23+$0xB0];
	v6 =	vadd.f32 v33, v22;
	[tilespmem:s23+$0x8490] =	vst v9  }
0x5f: {  	[tilespmem:s23+$0x84A0] =	vst v14  }
0x60: {  	[tilespmem:s23+$0x8460] =	vst v20  }
0x61: {  	[tilespmem:s23+$0x80E0] =	vst v4  }
0x62: {  	[tilespmem:s23+$0x8040] =	vst v22  }
0x63: {  	[tilespmem:s23+$0x84D0] =	vst v8  }
0x64: {  	[tilespmem:s23+$0x8440] =	vst v15  }
0x65: {  	[tilespmem:s23+$0x84E0] =	vst v0  }
0x66: {  	[tilespmem:s23+$0x80A0] =	vst v11  }
0x67: {  	v25 =	vld [tilespmem:s23+$0x50];
	[tilespmem:s23+$0x84B0] =	vst v3  }
0x68: {  	[tilespmem:s23+$0x8090] =	vst v13  }
0x69: {  	[tilespmem:s23+$0x84C0] =	vst v10  }
0x6a: {  	v63 =	vld [tilespmem:s23+$0xD0];
	v16 =	vadd.f32 v18, v24;
	[tilespmem:s23+$0x8070] =	vst v24  }
0x6b: {  	v18 =	vadd.f32 v19, v1;
	[tilespmem:s23+$0x80C0] =	vst v6  }
0x6c: {  	[tilespmem:s23+$0x80F0] =	vst v16;
	v1 =	vadd.f32 v25, v2  }
0x6d: {  	[tilespmem:s23+$0x8470] =	vst v18;
	v2 =	vadd.f32 v23, v7  }
0x6e: {  	p1 =	sne.s32 s20, $0x1F;
	v7 =	vadd.f32 v17, v18;
	[tilespmem:s23+$0x8050] =	vst v1  }
.Ltmp3:
0x6f: {  	v1 =	vadd.f32 v63, v1;
	[tilespmem:s23+$0x8030] =	vst v2;
	(pc) =	sbr.rel @p1 .LBB2_6-.Ltmp3, $4  }
0x70: {  	s22 =	sor.u32 s21, s4;
	v2 =	vadd.f32 v21, v2;
	[tilespmem:s23+$0x84F0] =	vst v7  }
0x71: {  	s22 =	sshrl.u32 s22, $0x3;
	[tilespmem:s23+$0x80D0] =	vst v1  }
0x72: {  	s31 =	sadd.s32 s3, s22;
	[tilespmem:s23+$0x80B0] =	vst v2  }
0x73: {  	[hbm4b:s31+s11] =	stream.strided.scatter [tilespmem:s14], [sflag:$0x3], $0x4000, s12, s11, $0x38;
	[tilespmem:$0x10000] =	vst v63  }
.Ltmp4:
0x74: {  	(pc) =	sbr.rel .LBB2_7-.Ltmp4, $4  }
0x75: {  	_ = 	snop  }
0x76: {  	_ =	swait.ge [sflag:s15], $0x4000  }
0x77: {  	[sflag:s15] =	ssyncset.done $0x0  }
0x78: {  	[sflag:s15] =	ssyncadd.s32 $0xFFFFC000  }
.LBB2_6:
0x79: {  	s23 =	sadd.s32 s21, s8  }
0x7a: {  	s23 =	sshrl.u32 s23, $0x3  }
.Ltmp5:
0x7b: {  	s23 =	sadd.s32 s2, s23;
	(pc) =	sbr.rel @p0 .LBB2_8-.Ltmp5, $4  }
0x7c: {  	[tilespmem:s5], [sflag:$0x1] =	stream.strided.gather [hbm4b:s23+s11], $0x4000, s12, s11, $0x38;
	[tilespmem:$0x10000] =	vst v63  }
0x7d: {  	_ =	swait.ge [sflag:s15], $0x4000  }
0x7e: {  	[sflag:s15] =	ssyncset.done $0x0  }
0x7f: {  	[sflag:s15] =	ssyncadd.s32 $0xFFFFC000  }
.LBB2_7:
0x80: {  	_ =	swait.ge [sflag:s16], $0x4000  }
0x81: {  	[sflag:s16] =	ssyncset.done $0x0  }
0x82: {  	[sflag:s16] =	ssyncadd.s32 $0xFFFFC000  }
.LBB2_8:
0x83: {  	s23 =	simm.s32 $0x0  }
0x84: {  	s24 =	sand.u32 $0x3800, s23;
	s23 =	sand.u32 $0x300, s23  }
0x85: {  	s23 =	sor.u32 s23, s24  }
0x86: {  	v21 =	vld [tilespmem:s23+$0x44E0]  }
0x87: {  	v17 =	vld [tilespmem:s23+$0x4460]  }
0x88: {  	v15 =	vld [tilespmem:s23+$0x4450]  }
0x89: {  	v19 =	vld [tilespmem:s23+$0x44B0]  }
0x8a: {  	v20 =	vld [tilespmem:s23+$0x4440]  }
0x8b: {  	v18 =	vld [tilespmem:s23+$0x4430]  }
0x8c: {  	v24 =	vld [tilespmem:s23+$0x4090]  }
0x8d: {  	v22 =	vld [tilespmem:s23+$0x4010]  }
0x8e: {  	v23 =	vld [tilespmem:s23+$0x4000]  }
0x8f: {  	v25 =	vld [tilespmem:s23+$0x4420]  }
0x90: {  	v26 =	vld [tilespmem:s23+$0x4410]  }
0x91: {  	v27 =	vld [tilespmem:s23+$0x4020]  }
0x92: {  	v28 =	vld [tilespmem:s23+$0x4400]  }
0x93: {  	v29 =	vld [tilespmem:s23+$0x4070]  }
0x94: {  	v30 =	vld [tilespmem:s23+$0x44D0]  }
0x95: {  	v32 =	vld [tilespmem:s23+$0x4060]  }
0x96: {  	v31 =	vld [tilespmem:s23+$0x40E0];
	v12 =	vadd.f32 v23, v12  }
0x97: {  	v62 =	vld [tilespmem:s23+$0x44A0];
	v14 =	vadd.f32 v25, v14  }
0x98: {  	v23 =	vld [tilespmem:s23+$0x4480];
	v13 =	vadd.f32 v22, v13;
	[tilespmem:s23+$0xC000] =	vst v12  }
0x99: {  	v33 =	vld [tilespmem:s23+$0x4040];
	v5 =	vadd.f32 v28, v5;
	v3 =	vadd.f32 v18, v3;
	[tilespmem:s23+$0xC420] =	vst v14  }
0x9a: {  	v25 =	vld [tilespmem:s23+$0x4490];
	v9 =	vadd.f32 v26, v9;
	v4 =	vadd.f32 v32, v4;
	[tilespmem:s23+$0xC010] =	vst v13  }
0x9b: {  	v22 =	vld [tilespmem:s23+$0x4080];
	v11 =	vadd.f32 v27, v11;
	[tilespmem:s23+$0xC430] =	vst v3;
	v3 =	vadd.f32 v19, v3  }
0x9c: {  	v26 =	vld [tilespmem:s23+$0x40A0];
	[tilespmem:s23+$0xC400] =	vst v5;
	v13 =	vadd.f32 v24, v13;
	v14 =	vadd.f32 v62, v14  }
0x9d: {  	v34 =	vld [tilespmem:s23+$0x44C0];
	[tilespmem:s23+$0xC410] =	vst v9;
	v24 =	vadd.f32 v29, v16;
	v5 =	vadd.f32 v23, v5  }
0x9e: {  	v63 =	vld [tilespmem:s23+$0x40C0];
	[tilespmem:s23+$0xC060] =	vst v4;
	v23 =	vadd.f32 v15, v8;
	v15 =	vadd.f32 v20, v10  }
0x9f: {  	v18 =	vld [tilespmem:s23+$0x40F0];
	[tilespmem:s23+$0xC020] =	vst v11;
	v9 =	vadd.f32 v25, v9;
	v20 =	vadd.f32 v17, v0  }
0xa0: {  	v19 =	vld [tilespmem:s23+$0x4470];
	v8 =	vadd.f32 v31, v4;
	v12 =	vadd.f32 v22, v12;
	[tilespmem:s23+$0xC480] =	vst v5  }
0xa1: {  	v17 =	vld [tilespmem:s23+$0x44F0];
	v11 =	vadd.f32 v26, v11;
	v22 =	vadd.f32 v33, v6;
	[tilespmem:s23+$0xC450] =	vst v23  }
0xa2: {  	v4 =	vadd.f32 v30, v23;
	v0 =	vadd.f32 v21, v20;
	v23 =	vld [tilespmem:s23+$0x4030];
	[tilespmem:s23+$0xC080] =	vst v12  }
0xa3: {  	s28 =	simm.s32 $0x100;
	s24 =	simm.s32 $0x200;
	v10 =	vadd.f32 v34, v15;
	v21 =	vld [tilespmem:s23+$0x40B0];
	v6 =	vadd.f32 v63, v22;
	[tilespmem:s23+$0xC490] =	vst v9  }
.LBB2_9:
0xa4: {  	s25 =	smov.u32 s28  }
0xa5: {  	s26 =	sand.u32 $0x3800, s24;
	s29 =	sand.u32 $0x300, s28;
	v16 =	vld [tilespmem:s23+$0x4050];
	[tilespmem:s23+$0xC4A0] =	vst v14;
	s25 =	sadd.s32 $0x100, s28  }
0xa6: {  	p0 =	sne.s32 s28, $0x1F00;
	s26 =	sor.u32 s29, s26;
	v25 =	vadd.f32 v18, v24;
	[tilespmem:s23+$0xC460] =	vst v20;
	v20 =	vld [tilespmem:s23+$0x40D0]  }
0xa7: {  	v26 =	vld [tilespmem:s26+$0x44E0];
	[tilespmem:s23+$0xC0E0] =	vst v8  }
0xa8: {  	v23 =	vadd.f32 v23, v2;
	v2 =	vadd.f32 v19, v7;
	v18 =	vld [tilespmem:s26+$0x4460];
	[tilespmem:s23+$0xC070] =	vst v24  }
0xa9: {  	v19 =	vld [tilespmem:s26+$0x4450];
	[tilespmem:s23+$0xC040] =	vst v22  }
0xaa: {  	v1 =	vadd.f32 v16, v1;
	v7 =	vadd.f32 v17, v2;
	v22 =	vld [tilespmem:s26+$0x44B0];
	[tilespmem:s23+$0xC0F0] =	vst v25  }
0xab: {  	v16 =	vld [tilespmem:s26+$0x4440];
	[tilespmem:s23+$0xC470] =	vst v2;
	v2 =	vadd.f32 v21, v23  }
0xac: {  	v17 =	vld [tilespmem:s26+$0x4430];
	[tilespmem:s23+$0xC050] =	vst v1;
	v1 =	vadd.f32 v20, v1  }
0xad: {  	v21 =	vld [tilespmem:s26+$0x4090];
	[tilespmem:s23+$0xC4D0] =	vst v4  }
0xae: {  	v20 =	vld [tilespmem:s26+$0x4010];
	[tilespmem:s23+$0xC030] =	vst v23  }
0xaf: {  	v23 =	vld [tilespmem:s26+$0x4000];
	[tilespmem:s23+$0xC0D0] =	vst v1  }
0xb0: {  	v24 =	vld [tilespmem:s26+$0x4420];
	[tilespmem:s23+$0xC0C0] =	vst v6  }
0xb1: {  	v27 =	vld [tilespmem:s26+$0x4410];
	[tilespmem:s23+$0xC440] =	vst v15  }
0xb2: {  	v15 =	vld [tilespmem:s26+$0x4020];
	[tilespmem:s23+$0xC0B0] =	vst v2  }
0xb3: {  	v28 =	vld [tilespmem:s26+$0x4400];
	[tilespmem:s23+$0xC4E0] =	vst v0  }
0xb4: {  	v29 =	vld [tilespmem:s26+$0x4070];
	[tilespmem:s23+$0xC0A0] =	vst v11  }
0xb5: {  	v30 =	vld [tilespmem:s26+$0x44D0];
	[tilespmem:s23+$0xC4B0] =	vst v3  }
0xb6: {  	v14 =	vadd.f32 v24, v14;
	v24 =	vld [tilespmem:s26+$0x40E0];
	[tilespmem:s23+$0xC4F0] =	vst v7  }
0xb7: {  	v12 =	vadd.f32 v23, v12;
	v23 =	vld [tilespmem:s26+$0x4480];
	[tilespmem:s23+$0xC090] =	vst v13  }
0xb8: {  	v13 =	vadd.f32 v20, v13;
	v31 =	vadd.f32 v15, v11;
	v11 =	vld [tilespmem:s26+$0x4060];
	[tilespmem:s23+$0xC4C0] =	vst v10;
	s23 =	smov.u32 s26  }
0xb9: {  	v5 =	vadd.f32 v28, v5;
	[tilespmem:s23+$0xC000] =	vst v12;
	v20 =	vld [tilespmem:s23+$0x4490]  }
0xba: {  	v9 =	vadd.f32 v27, v9;
	[tilespmem:s23+$0xC420] =	vst v14;
	v27 =	vld [tilespmem:s23+$0x4080]  }
0xbb: {  	v17 =	vadd.f32 v17, v3;
	[tilespmem:s23+$0xC010] =	vst v13;
	v28 =	vld [tilespmem:s23+$0x44A0]  }
0xbc: {  	v15 =	vadd.f32 v16, v10;
	[tilespmem:s23+$0xC400] =	vst v5;
	v10 =	vld [tilespmem:s23+$0x40A0];
	v5 =	vadd.f32 v23, v5  }
0xbd: {  	v3 =	vadd.f32 v22, v17;
	v16 =	vld [tilespmem:s23+$0x4040];
	v11 =	vadd.f32 v11, v8;
	[tilespmem:s23+$0xC410] =	vst v9  }
0xbe: {  	v19 =	vadd.f32 v19, v4;
	[tilespmem:s23+$0xC480] =	vst v5;
	v9 =	vadd.f32 v20, v9;
	v32 =	vld [tilespmem:s23+$0x44C0]  }
0xbf: {  	v20 =	vadd.f32 v18, v0;
	[tilespmem:s23+$0xC430] =	vst v17;
	v33 =	vld [tilespmem:s23+$0x40C0];
	v8 =	vadd.f32 v24, v11  }
.Ltmp6:
0xc0: {  	v4 =	vadd.f32 v30, v19;
	v12 =	vadd.f32 v27, v12;
	[tilespmem:s23+$0xC060] =	vst v11;
	v18 =	vld [tilespmem:s23+$0x40F0];
	(pc) =	sbr.rel @p0 .LBB2_9-.Ltmp6, $4  }
0xc1: {  	v0 =	vadd.f32 v26, v20;
	[tilespmem:s23+$0xC450] =	vst v19;
	v19 =	vld [tilespmem:s23+$0x4470];
	v11 =	vadd.f32 v10, v31  }
0xc2: {  	v13 =	vadd.f32 v21, v13;
	[tilespmem:s23+$0xC020] =	vst v31;
	v22 =	vadd.f32 v16, v6;
	v17 =	vld [tilespmem:s23+$0x44F0]  }
0xc3: {  	v14 =	vadd.f32 v28, v14;
	v23 =	vld [tilespmem:s23+$0x4030];
	[tilespmem:s23+$0xC080] =	vst v12;
	v10 =	vadd.f32 v32, v15  }
0xc4: {  	s24 =	sadd.s32 $0x200, s24;
	s28 =	smov.u32 s25;
	v24 =	vadd.f32 v29, v25;
	v21 =	vld [tilespmem:s23+$0x40B0];
	v6 =	vadd.f32 v33, v22;
	[tilespmem:s23+$0xC490] =	vst v9  }
0xc5: {  	[tilespmem:s23+$0xC4A0] =	vst v14  }
0xc6: {  	[tilespmem:s23+$0xC460] =	vst v20  }
0xc7: {  	[tilespmem:s23+$0xC0E0] =	vst v8  }
0xc8: {  	[tilespmem:s23+$0xC040] =	vst v22  }
0xc9: {  	[tilespmem:s23+$0xC4D0] =	vst v4  }
0xca: {  	[tilespmem:s23+$0xC440] =	vst v15  }
0xcb: {  	[tilespmem:s23+$0xC4E0] =	vst v0  }
0xcc: {  	[tilespmem:s23+$0xC0A0] =	vst v11  }
0xcd: {  	[tilespmem:s23+$0xC4B0] =	vst v3  }
0xce: {  	v25 =	vld [tilespmem:s23+$0x4050];
	[tilespmem:s23+$0xC090] =	vst v13  }
0xcf: {  	[tilespmem:s23+$0xC4C0] =	vst v10  }
0xd0: {  	v63 =	vld [tilespmem:s23+$0x40D0];
	v16 =	vadd.f32 v18, v24;
	[tilespmem:s23+$0xC070] =	vst v24  }
0xd1: {  	v18 =	vadd.f32 v19, v7;
	[tilespmem:s23+$0xC0C0] =	vst v6  }
0xd2: {  	[tilespmem:s23+$0xC0F0] =	vst v16;
	v7 =	vadd.f32 v23, v2  }
0xd3: {  	[tilespmem:s23+$0xC470] =	vst v18;
	v1 =	vadd.f32 v25, v1  }
0xd4: {  	p0 =	seq.s32 s20, $0x1F;
	[tilespmem:s23+$0xC030] =	vst v7;
	v7 =	vadd.f32 v21, v7  }
.Ltmp7:
0xd5: {  	[tilespmem:s23+$0xC050] =	vst v1;
	v2 =	vadd.f32 v63, v1;
	(pc) =	sbr.rel @p0 .LBB2_12-.Ltmp7, $4  }
0xd6: {  	[tilespmem:s23+$0xC0B0] =	vst v7;
	v1 =	vadd.f32 v17, v18  }
0xd7: {  	s22 =	sor.u32 $0x4000, s22;
	[tilespmem:s23+$0xC0D0] =	vst v2  }
0xd8: {  	s22 =	sadd.s32 s3, s22;
	[tilespmem:s23+$0xC4F0] =	vst v1  }
0xd9: {  	[hbm4b:s22+s11] =	stream.strided.scatter [tilespmem:s17], [sflag:$0x4], $0x4000, s12, s11, $0x38;
	[tilespmem:$0x10000] =	vst v63  }
.Ltmp8:
0xda: {  	(pc) =	sbr.rel .LBB2_2-.Ltmp8, $4  }
0xdb: {  	s21 =	sadd.s32 s21, s9  }
0xdc: {  	s21 =	sshrl.u32 s21, $0x3  }
0xdd: {  	s20 =	sadd.s32 $0x1, s20;
	s21 =	sadd.s32 s2, s21  }
0xde: {  	[tilespmem:s12], [sflag:$0x2] =	stream.strided.gather [hbm4b:s21+s11], $0x4000, s12, s11, $0x38;
	[tilespmem:$0x10000] =	vst v63  }
.LBB2_13:
0xdf: {  	_ =	sfence.sel $0x180000  }
0xe0: {  	[bflag:$0x0] =	sbarrier.arrive $0xFFFF  }
0xe1: {  	p0 =	sne.s32 s0, $0x0;
	_ =	strace $0x90000047  }
0xe2: {  	s0 =	sadd.s32 @!p0 $0x100000, s1;
	[bflag:$0x2] =	sbarrier.arrive $0xFFFF  }
0xe3: {  	[sflag:s0] =	ssyncadd.tile.s32 @!p0 $0x1;
	_ =	shalt  }
.Lfunc_end2:
_tile_overlayer_lowered:
.L_overlay_start_2:
0xe4: {  	(tag) =	ssettag $0x2  }
0xe5: {  	s0 =	rddreg [dreg:$0x0];
	s2 =	stileid.u32  }
0xe6: {  	s1 =	rddreg [dreg:$0x1];
	p0 =	sne.s32 s2, $0x0  }
0xe7: {  	s3 =	rddreg [dreg:$0x2];
	[bflag:$0x3] =	sbarrier.arrive $0xFFFF;
	s2 =	simm.s32 @!p0 $0x1C05  }
0xe8: {  	[timem:s3], [sflag:s2] =	dma.local @!p0 [hbm:s0], s1  }
0xe9: {  	s0 =	simm.s32 @!p0 $0x5  }
0xea: {  	_ =	swait.ge @!p0 [sflag:s0], s1  }
0xeb: {  	s1 =	ssub.s32 @!p0 $0x0, s1;
	[sflag:s0] =	ssyncset.done @!p0 $0x0  }
0xec: {  	[sflag:s0] =	ssyncadd.s32 @!p0 s1  }
0xed: {  	[bflag:$0x3] =	sbarrier.arrive $0xFFFF  }
0xee: {  	_ =	shalt  }

</sc_bundles>
